<compile_context>
chip_gen: v7x
topology: tpu7x:2x2x1
jax: 0.10.2.dev20260603
libtpu: 0.0.44.dev20260713+nightly
codegen_flags: <defaults>
</compile_context>

<pallas_src>
import functools

import jax
import jax.numpy as jnp
from jax import lax
from jax.experimental import pallas as pl
from jax.experimental.pallas import tpu as pltpu
from jax.experimental.pallas import tpu_sc as plsc


def _mask_update_sc(wm_flat, bm_flat):
    n = wm_flat.shape[0]
    info = plsc.get_sparse_core_info()
    nw = info.num_cores * info.num_subcores
    per = n // nw
    nseg = per // 16

    @functools.partial(
        pl.kernel,
        out_type=[jax.ShapeDtypeStruct((n,), jnp.float32),
                  jax.ShapeDtypeStruct((n,), jnp.float32)],
        scratch_types=[pltpu.VMEM((per,), jnp.float32),
                       pltpu.VMEM((per,), jnp.float32),
                       pltpu.VMEM((per,), jnp.float32),
                       pltpu.VMEM((per,), jnp.float32)],
        mesh=plsc.VectorSubcoreMesh(core_axis_name="c", subcore_axis_name="s"),
    )
    def k(wm_hbm, bm_hbm, nwm_hbm, nbm_hbm, wm_v, bm_v, nwm_v, nbm_v):
        wid = lax.axis_index("s") * info.num_cores + lax.axis_index("c")
        base = wid * per
        pltpu.sync_copy(wm_hbm.at[pl.ds(base, per)], wm_v)
        pltpu.sync_copy(bm_hbm.at[pl.ds(base, per)], bm_v)
        lane = lax.iota(jnp.int32, 16)
        roll_idx = (lane + 15) % 16
        for j in range(nseg):
            w = wm_v[pl.ds(j * 16, 16)]
            b = bm_v[pl.ds(j * 16, 16)]
            nwm_v[pl.ds(j * 16, 16)] = lax.gather(
                w, roll_idx[:, None],
                dimension_numbers=lax.GatherDimensionNumbers(
                    offset_dims=(), collapsed_slice_dims=(0,),
                    start_index_map=(0,)),
                slice_sizes=(1,),
                mode=lax.GatherScatterMode.PROMISE_IN_BOUNDS)
            nbm_v[pl.ds(j * 16, 16)] = jnp.minimum(w + b, 1.0)
        pltpu.sync_copy(nwm_v, nwm_hbm.at[pl.ds(base, per)])
        pltpu.sync_copy(nbm_v, nbm_hbm.at[pl.ds(base, per)])

    return k(wm_flat, bm_flat)


def _body(batch_ref, z_ref, mv2d_ref, mvm2d_ref, wm_ref, bm_ref,
          WvT_ref, bv_ref, Wa1T_ref, ba1_ref, Katt_ref, ba2t_ref,
          WhSum_ref, bh_ref, WoT_ref, bo_ref,
          S4_ref, GS_ref,
          out_ref, nmv_ref,
          acc_ref, att_ref, mvWo_ref,
          *, T, B, M, E, H, OUT, n_tiles):
    i = pl.program_id(0)
    f32 = jnp.float32
    bf16 = jnp.bfloat16

    @pl.when(i == 0)
    def _prologue():
        acc_ref[...] = jnp.zeros((B, E), dtype=f32)
        att2 = jnp.dot(mv2d_ref[...], Katt_ref[...],
                       preferred_element_type=f32) + ba2t_ref[...]
        biast = (bm_ref[...] - 1.0) * 1e9
        att_ref[...] = jnp.concatenate(
            [att2, biast, biast, biast, biast], axis=1)
        for m in range(M):
            blk = jnp.dot(mvm2d_ref[m * B:(m + 1) * B, :].astype(bf16),
                          WoT_ref[...], preferred_element_type=f32)
            mvWo_ref[m * B:(m + 1) * B, :] = blk.astype(bf16)

    b_t = batch_ref[0]
    oh = (b_t == jax.lax.broadcasted_iota(jnp.int32, (T, B), 1)).astype(bf16)

    z_t = z_ref[...].astype(bf16)
    wv = (jnp.dot(z_t, WvT_ref[...], preferred_element_type=f32)
          + bv_ref[...]).astype(bf16)
    acc_ref[...] += jax.lax.dot_general(
        oh, wv, (((0,), (0,)), ((), ())), preferred_element_type=f32)

    a1 = jnp.dot(z_t, Wa1T_ref[...], preferred_element_type=f32) + ba1_ref[...]
    a1t = jnp.dot(a1, S4_ref[...], preferred_element_type=f32)

    r_att = jnp.dot(oh, att_ref[...], preferred_element_type=f32)
    l = r_att[:, :H * M] + a1t
    l = jnp.where(l >= 0, l, 0.01 * l) + r_att[:, H * M:]
    e = jnp.exp(l)
    sums4 = jnp.dot(e, GS_ref[...], preferred_element_type=f32)
    c = e * jnp.dot(1.0 / sums4, S4_ref[...], preferred_element_type=f32)
    s = jnp.dot(c, WhSum_ref[...], preferred_element_type=f32) + bh_ref[0, 0]
    es = jnp.exp(s)
    coefs = (es / jnp.sum(es, axis=1, keepdims=True)).astype(bf16)

    fin = jnp.zeros((T, OUT), dtype=f32)
    for m in range(M):
        fin = fin + jnp.dot(coefs[:, m:m + 1] * oh,
                            mvWo_ref[m * B:(m + 1) * B, :],
                            preferred_element_type=f32)
    out_ref[...] = fin + bo_ref[...]

    @pl.when(i == n_tiles - 1)
    def _epilogue():
        wv_seg = jnp.tanh(acc_ref[...])
        wm = wm_ref[...]
        for m in range(M):
            nmv_ref[:, m * E:(m + 1) * E] = (
                mv2d_ref[:, m * E:(m + 1) * E] + wv_seg * wm[:, m:m + 1])


def kernel(z, batch, memory_values, write_mask, bias_mask,
           Wv, bv, Wa1, ba1, Wa2, ba2, Wh, bh, Wo, bo):
    N, F_IN = z.shape
    B, M, E = memory_values.shape
    H = Wa1.shape[0]
    OUT = Wo.shape[0]
    T = 2000
    n_tiles = -(-N // T)
    Npad = n_tiles * T
    f32 = jnp.float32
    bf16 = jnp.bfloat16

    batch_i = batch.astype(jnp.int32)
    batch3 = jnp.pad(batch_i, (0, Npad - N), constant_values=B).reshape(
        n_tiles, T, 1)
    z_p = jnp.pad(z, ((0, Npad - N), (0, 0)))

    mv2d = memory_values.reshape(B, M * E)
    mvm2d = jnp.transpose(memory_values, (1, 0, 2)).reshape(M * B, E)

    eyeM = jnp.eye(M, dtype=f32)
    Katt = jnp.concatenate(
        [jnp.kron(eyeM, Wa2[h].reshape(E, 1)) for h in range(H)], axis=1)
    ba2t = jnp.repeat(ba2, M).reshape(1, H * M).astype(f32)
    S4 = jnp.kron(jnp.eye(H, dtype=f32), jnp.ones((1, M), f32))
    GS = jnp.kron(jnp.eye(H, dtype=f32), jnp.ones((M, 1), f32))
    WhSum = jnp.kron(Wh.reshape(H, 1), eyeM)

    body = functools.partial(_body, T=T, B=B, M=M, E=E, H=H, OUT=OUT,
                             n_tiles=n_tiles)

    full = lambda shape: pl.BlockSpec(shape, lambda i: (0,) * len(shape))
    nwm_flat, nbm_flat = _mask_update_sc(
        write_mask.reshape(B * M), bias_mask.reshape(B * M))

    out, nmv2d = pl.pallas_call(
        body,
        grid=(n_tiles,),
        in_specs=[
            pl.BlockSpec((1, T, 1), lambda i: (i, 0, 0)),
            pl.BlockSpec((T, F_IN), lambda i: (i, 0)),
            full((B, M * E)),
            full((M * B, E)),
            full((B, M)),
            full((B, M)),
            full((F_IN, E)),
            full((1, E)),
            full((F_IN, H)),
            full((1, H)),
            full((M * E, H * M)),
            full((1, H * M)),
            full((H * M, M)),
            full((1, 1)),
            full((E, OUT)),
            full((1, OUT)),
            full((H, H * M)),
            full((H * M, H)),
        ],
        out_specs=[
            pl.BlockSpec((T, OUT), lambda i: (i, 0)),
            full((B, M * E)),
        ],
        out_shape=[
            jax.ShapeDtypeStruct((Npad, OUT), f32),
            jax.ShapeDtypeStruct((B, M * E), f32),
        ],
        scratch_shapes=[
            pltpu.VMEM((B, E), f32),
            pltpu.VMEM((B, 2 * H * M), f32),
            pltpu.VMEM((M * B, OUT), bf16),
        ],
    )(batch3, z_p, mv2d, mvm2d, write_mask, bias_mask,
      Wv.T.astype(bf16), bv.reshape(1, E), Wa1.T.astype(bf16),
      ba1.reshape(1, H), Katt, ba2t,
      WhSum, bh.reshape(1, 1), Wo.T.astype(bf16), bo.reshape(1, OUT),
      S4, GS)

    output = out[:N]
    new_memory_values = nmv2d.reshape(B, M, E)
    return (output, jnp.arange(N), new_memory_values,
            nwm_flat.reshape(B, M), nbm_flat.reshape(B, M))

# --- scband reference (transcript-rebuilt; emitter-appended) ---
"""Pipeline reference for scband-priority-queue-v0-57732950393175 (READ-ONLY COPY).

The authoritative reference and input builder live on the scoring server;
editing this copy changes nothing except your own understanding.
"""

import jax, jax.numpy as jnp
import numpy as np

N = 50000
F_IN = 128
E = 128
M = 16
B = 256
H = 4
OUT = 128


def setup_inputs(seed: int = 0) -> dict:
    key = jax.random.key(seed)
    ks = jax.random.split(key, 16)
    s = 0.05
    z = jax.random.normal(ks[0], (N, F_IN), dtype=jnp.float32)
    batch = jnp.sort(jax.random.randint(ks[1], (N,), 0, B, dtype=jnp.int64))
    memory_values = jax.random.normal(ks[2], (B, M, E), dtype=jnp.float32)
    # write_mask is one-hot at slot 0 (as produced by initial_state)
    write_mask = jnp.zeros((B, M), dtype=jnp.float32).at[:, 0].set(1.0)
    # bias_mask = ones -> all memory slots are valid/attendable
    bias_mask = jnp.ones((B, M), dtype=jnp.float32)
    # parameters (torch.nn.Linear layout: W [out, in], y = x @ W.T + b)
    Wv = jax.random.normal(ks[3], (E, F_IN), dtype=jnp.float32) * s
    bv = jax.random.normal(ks[4], (E,), dtype=jnp.float32) * s
    Wa1 = jax.random.normal(ks[5], (H, F_IN), dtype=jnp.float32) * s
    ba1 = jax.random.normal(ks[6], (H,), dtype=jnp.float32) * s
    Wa2 = jax.random.normal(ks[7], (H, F_IN), dtype=jnp.float32) * s
    ba2 = jax.random.normal(ks[8], (H,), dtype=jnp.float32) * s
    Wh = jax.random.normal(ks[9], (1, H), dtype=jnp.float32) * s
    bh = jax.random.normal(ks[10], (1,), dtype=jnp.float32) * s
    Wo = jax.random.normal(ks[11], (OUT, E), dtype=jnp.float32) * s
    bo = jax.random.normal(ks[12], (OUT,), dtype=jnp.float32) * s
    return {
        'z': z, 'batch': batch,
        'memory_values': memory_values, 'write_mask': write_mask, 'bias_mask': bias_mask,
        'Wv': Wv, 'bv': bv, 'Wa1': Wa1, 'ba1': ba1, 'Wa2': Wa2, 'ba2': ba2,
        'Wh': Wh, 'bh': bh, 'Wo': Wo, 'bo': bo,
    }


def reference(z, batch, memory_values, write_mask, bias_mask,
              Wv, bv, Wa1, ba1, Wa2, ba2, Wh, bh, Wo, bo):
    # value projection + scatter-add over graphs + tanh
    wv = z @ Wv.T + bv                                  # [N, E]
    write_values = jnp.tanh(jax.ops.segment_sum(wv, batch, num_segments=B))  # [B, E]
    # attention
    att_1 = (z @ Wa1.T + ba1)[:, :, None]               # [N, H, 1]
    att_2 = (memory_values @ Wa2.T + ba2)[batch]        # [N, M, H] (gather by batch)
    logits = jnp.transpose(att_1, (1, 0, 2)) + jnp.transpose(att_2, (2, 0, 1))  # [H, N, M]
    bias_mat = ((bias_mask - 1.0) * 1000000000.0)[batch][None, :, :]            # [1, N, M]
    coefs = jax.nn.softmax(jax.nn.leaky_relu(logits) + bias_mat, axis=-1)       # [H, N, M]
    coefs = jnp.transpose(coefs, (1, 2, 0))              # [N, M, H]
    # multi-head aggregation (nb_heads > 1)
    coefs = coefs @ Wh.T + bh                            # [N, M, 1]
    coefs = jnp.squeeze(coefs, axis=2)                   # [N, M]
    coefs = jax.nn.softmax(coefs, axis=-1)
    # weighted aggregation over memory slots
    val = memory_values[batch]                           # [N, M, E] gather
    output = jnp.sum(coefs[:, :, None] * val, axis=1)    # [N, E]
    output = output @ Wo.T + bo                          # [N, OUT]
    message_recepients = jnp.arange(N)
    # state update
    new_memory_values = memory_values + write_values[:, None, :] * write_mask[:, :, None]
    new_write_mask = jnp.roll(write_mask, shift=1, axis=1)
    new_bias_mask = jnp.minimum(bias_mask + write_mask, jnp.ones((1,), dtype=bias_mask.dtype))
    return (output, message_recepients, new_memory_values, new_write_mask, new_bias_mask)

if __name__ == "__main__":
    import jax
    _d = setup_inputs()
    print(jax.jit(kernel)(*tuple(_d.values())))

</pallas_src>

<mosaic_0001>
#map = affine_map<(d0, d1) -> (0)>
module attributes {stable_mosaic.version = 14 : i64} {
  func.func @k(%arg0: i32, %arg1: i32, %arg2: memref<4096xf32, #tpu.memory_space<hbm>>, %arg3: memref<4096xf32, #tpu.memory_space<hbm>>, %arg4: memref<4096xf32, #tpu.memory_space<hbm>>, %arg5: memref<4096xf32, #tpu.memory_space<hbm>>, %arg6: memref<128xf32, #tpu.memory_space<vmem>>, %arg7: memref<128xf32, #tpu.memory_space<vmem>>, %arg8: memref<128xf32, #tpu.memory_space<vmem>>, %arg9: memref<128xf32, #tpu.memory_space<vmem>>) attributes {dimension_semantics = [#tpu.dimension_semantics<core_parallel>, #tpu.dimension_semantics<subcore_parallel>], iteration_bounds = array<i64: 2, 16>, scalar_prefetch = 0 : i64, scratch_operands = 4 : i64, tpu.core_type = #tpu.core_type<sc_vector_subcore>, window_params = [{transform_indices = #map}, {transform_indices = #map}, {transform_indices = #map}, {transform_indices = #map}]} {
    %mul3A = arith.constant 2 : i32
    %mul3A_0 = arith.muli %arg1, %mul3A : i32
    %add3A = arith.addi %mul3A_0, %arg0 : i32
    %mul3A_1 = arith.constant 128 : i32
    %mul3A_2 = arith.muli %add3A, %mul3A_1 : i32
    "tpu.region"() ({
      %run_scoped3A = tpu.sem_alloc : memref<!tpu.dma_semaphore, #tpu.memory_space<semaphore_mem>>
      %dma_start3A = tpu.memref_slice %arg2[%mul3A_2] : memref<4096xf32, #tpu.memory_space<hbm>> -> memref<128xf32, #tpu.memory_space<hbm>>
      %dma_start3A_184 = tpu.memref_slice %arg2[%mul3A_2] : memref<4096xf32, #tpu.memory_space<hbm>> -> memref<128xf32, #tpu.memory_space<hbm>>
      tpu.enqueue_dma source(%dma_start3A_184 : memref<128xf32, #tpu.memory_space<hbm>>) target(%arg6 : memref<128xf32, #tpu.memory_space<vmem>>) target_semaphore(%run_scoped3A : memref<!tpu.dma_semaphore, #tpu.memory_space<semaphore_mem>>)
      %dma_wait3A = tpu.memref_slice %arg2[%mul3A_2] : memref<4096xf32, #tpu.memory_space<hbm>> -> memref<128xf32, #tpu.memory_space<hbm>>
      %dma_wait3A_185 = tpu.memref_slice %arg2[%mul3A_2] : memref<4096xf32, #tpu.memory_space<hbm>> -> memref<128xf32, #tpu.memory_space<hbm>>
      tpu.wait_dma2 semaphore(%run_scoped3A : memref<!tpu.dma_semaphore, #tpu.memory_space<semaphore_mem>>) src(%dma_wait3A_185 : memref<128xf32, #tpu.memory_space<hbm>>) dst(%arg6 : memref<128xf32, #tpu.memory_space<vmem>>)
      tpu.yield
    }) : () -> ()
    "tpu.region"() ({
      %run_scoped3A = tpu.sem_alloc : memref<!tpu.dma_semaphore, #tpu.memory_space<semaphore_mem>>
      %dma_start3A = tpu.memref_slice %arg3[%mul3A_2] : memref<4096xf32, #tpu.memory_space<hbm>> -> memref<128xf32, #tpu.memory_space<hbm>>
      %dma_start3A_184 = tpu.memref_slice %arg3[%mul3A_2] : memref<4096xf32, #tpu.memory_space<hbm>> -> memref<128xf32, #tpu.memory_space<hbm>>
      tpu.enqueue_dma source(%dma_start3A_184 : memref<128xf32, #tpu.memory_space<hbm>>) target(%arg7 : memref<128xf32, #tpu.memory_space<vmem>>) target_semaphore(%run_scoped3A : memref<!tpu.dma_semaphore, #tpu.memory_space<semaphore_mem>>)
      %dma_wait3A = tpu.memref_slice %arg3[%mul3A_2] : memref<4096xf32, #tpu.memory_space<hbm>> -> memref<128xf32, #tpu.memory_space<hbm>>
      %dma_wait3A_185 = tpu.memref_slice %arg3[%mul3A_2] : memref<4096xf32, #tpu.memory_space<hbm>> -> memref<128xf32, #tpu.memory_space<hbm>>
      tpu.wait_dma2 semaphore(%run_scoped3A : memref<!tpu.dma_semaphore, #tpu.memory_space<semaphore_mem>>) src(%dma_wait3A_185 : memref<128xf32, #tpu.memory_space<hbm>>) dst(%arg7 : memref<128xf32, #tpu.memory_space<vmem>>)
      tpu.yield
    }) : () -> ()
    %iota3A = tpu.iota {dimensions = array<i32: 0>} : vector<16xi32>
    %add3A_3 = arith.constant 15 : i32
    %add3A_4 = vector.broadcast %add3A_3 : i32 to vector<16xi32>
    %add3A_5 = arith.addi %iota3A, %add3A_4 : vector<16xi32>
    %jit3A = arith.constant 16 : i32
    %eq3A = arith.constant 0 : i32
    %eq3A_6 = arith.cmpi eq, %jit3A, %eq3A : i32
    %jit3A_7 = arith.constant 1 : i32
    %select_n3A = arith.select %eq3A_6, %jit3A_7, %jit3A : i32
    %rem3A = vector.broadcast %select_n3A : i32 to vector<16xi32>
    %rem3A_8 = arith.remsi %add3A_5, %rem3A : vector<16xi32>
    %ne3A = arith.constant 0 : i32
    %ne3A_9 = vector.broadcast %ne3A : i32 to vector<16xi32>
    %ne3A_10 = arith.cmpi ne, %rem3A_8, %ne3A_9 : vector<16xi32>
    %lt3A = arith.constant 0 : i32
    %lt3A_11 = vector.broadcast %lt3A : i32 to vector<16xi32>
    %lt3A_12 = arith.cmpi slt, %rem3A_8, %lt3A_11 : vector<16xi32>
    %lt3A_13 = arith.constant 0 : i32
    %lt3A_14 = arith.cmpi slt, %select_n3A, %lt3A_13 : i32
    %ne3A_15 = vector.broadcast %lt3A_14 : i1 to vector<16xi1>
    %ne3A_16 = vector.broadcast %ne3A_15 : vector<16xi1> to vector<16xi1>
    %ne3A_17 = arith.xori %lt3A_12, %ne3A_16 : vector<16xi1>
    %and3A = arith.andi %ne3A_17, %ne3A_10 : vector<16xi1>
    %add3A_18 = vector.broadcast %select_n3A : i32 to vector<16xi32>
    %add3A_19 = arith.addi %rem3A_8, %add3A_18 : vector<16xi32>
    %select_n3A_20 = arith.select %and3A, %add3A_19, %rem3A_8 : vector<16xi1>, vector<16xi32>
    %get3A = arith.constant 0 : index
    %get3A_21 = tpu.vector_load %arg6[%get3A] {strides = array<i32>} : memref<128xf32, #tpu.memory_space<vmem>>, vector<16xf32>,
    %get3A_22 = vector.shape_cast %get3A_21 : vector<16xf32> to vector<16xf32>
    %get3A_23 = arith.constant 0 : index
    %get3A_24 = tpu.vector_load %arg7[%get3A_23] {strides = array<i32>} : memref<128xf32, #tpu.memory_space<vmem>>, vector<16xf32>,
    %get3A_25 = vector.shape_cast %get3A_24 : vector<16xf32> to vector<16xf32>
    %broadcast_in_dim3A = vector.shape_cast %select_n3A_20 : vector<16xi32> to vector<16x1xi32>
    %gather3A = vector.shape_cast %broadcast_in_dim3A : vector<16x1xi32> to vector<16xi32>
    %gather3A_26 = tpu.dynamic_gather %get3A_22[%gather3A] in [0] : vector<16xf32>, vector<16xi32> -> vector<16xf32>
    %swap3A = arith.constant 0 : index
    %swap3A_27 = tpu.vector_load %arg8[%swap3A] {strides = array<i32>} : memref<128xf32, #tpu.memory_space<vmem>>, vector<16xf32>,
    %swap3A_28 = vector.shape_cast %swap3A_27 : vector<16xf32> to vector<16xf32>
    %swap3A_29 = vector.shape_cast %gather3A_26 : vector<16xf32> to vector<16xf32>
    tpu.vector_store %arg8[%swap3A], %swap3A_29 {strides = array<i32>} : memref<128xf32, #tpu.memory_space<vmem>>, vector<16xf32>,
    %add3A_30 = arith.addf %get3A_22, %get3A_25 : vector<16xf32>
    %min3A = arith.constant 1.000000e+00 : f32
    %min3A_31 = vector.broadcast %min3A : f32 to vector<16xf32>
    %min3A_32 = arith.minimumf %add3A_30, %min3A_31 : vector<16xf32>
    %swap3A_33 = arith.constant 0 : index
    %swap3A_34 = tpu.vector_load %arg9[%swap3A_33] {strides = array<i32>} : memref<128xf32, #tpu.memory_space<vmem>>, vector<16xf32>,
    %swap3A_35 = vector.shape_cast %swap3A_34 : vector<16xf32> to vector<16xf32>
    %swap3A_36 = vector.shape_cast %min3A_32 : vector<16xf32> to vector<16xf32>
    tpu.vector_store %arg9[%swap3A_33], %swap3A_36 {strides = array<i32>} : memref<128xf32, #tpu.memory_space<vmem>>, vector<16xf32>,
    %get3A_37 = arith.constant 16 : index
    %get3A_38 = tpu.vector_load %arg6[%get3A_37] {strides = array<i32>} : memref<128xf32, #tpu.memory_space<vmem>>, vector<16xf32>,
    %get3A_39 = vector.shape_cast %get3A_38 : vector<16xf32> to vector<16xf32>
    %get3A_40 = arith.constant 16 : index
    %get3A_41 = tpu.vector_load %arg7[%get3A_40] {strides = array<i32>} : memref<128xf32, #tpu.memory_space<vmem>>, vector<16xf32>,
    %get3A_42 = vector.shape_cast %get3A_41 : vector<16xf32> to vector<16xf32>
    %broadcast_in_dim3A_43 = vector.shape_cast %select_n3A_20 : vector<16xi32> to vector<16x1xi32>
    %gather3A_44 = vector.shape_cast %broadcast_in_dim3A_43 : vector<16x1xi32> to vector<16xi32>
    %gather3A_45 = tpu.dynamic_gather %get3A_39[%gather3A_44] in [0] : vector<16xf32>, vector<16xi32> -> vector<16xf32>
    %swap3A_46 = arith.constant 16 : index
    %swap3A_47 = tpu.vector_load %arg8[%swap3A_46] {strides = array<i32>} : memref<128xf32, #tpu.memory_space<vmem>>, vector<16xf32>,
    %swap3A_48 = vector.shape_cast %swap3A_47 : vector<16xf32> to vector<16xf32>
    %swap3A_49 = vector.shape_cast %gather3A_45 : vector<16xf32> to vector<16xf32>
    tpu.vector_store %arg8[%swap3A_46], %swap3A_49 {strides = array<i32>} : memref<128xf32, #tpu.memory_space<vmem>>, vector<16xf32>,
    %add3A_50 = arith.addf %get3A_39, %get3A_42 : vector<16xf32>
    %min3A_51 = arith.constant 1.000000e+00 : f32
    %min3A_52 = vector.broadcast %min3A_51 : f32 to vector<16xf32>
    %min3A_53 = arith.minimumf %add3A_50, %min3A_52 : vector<16xf32>
    %swap3A_54 = arith.constant 16 : index
    %swap3A_55 = tpu.vector_load %arg9[%swap3A_54] {strides = array<i32>} : memref<128xf32, #tpu.memory_space<vmem>>, vector<16xf32>,
    %swap3A_56 = vector.shape_cast %swap3A_55 : vector<16xf32> to vector<16xf32>
    %swap3A_57 = vector.shape_cast %min3A_53 : vector<16xf32> to vector<16xf32>
    tpu.vector_store %arg9[%swap3A_54], %swap3A_57 {strides = array<i32>} : memref<128xf32, #tpu.memory_space<vmem>>, vector<16xf32>,
    %get3A_58 = arith.constant 32 : index
    %get3A_59 = tpu.vector_load %arg6[%get3A_58] {strides = array<i32>} : memref<128xf32, #tpu.memory_space<vmem>>, vector<16xf32>,
    %get3A_60 = vector.shape_cast %get3A_59 : vector<16xf32> to vector<16xf32>
    %get3A_61 = arith.constant 32 : index
    %get3A_62 = tpu.vector_load %arg7[%get3A_61] {strides = array<i32>} : memref<128xf32, #tpu.memory_space<vmem>>, vector<16xf32>,
    %get3A_63 = vector.shape_cast %get3A_62 : vector<16xf32> to vector<16xf32>
    %broadcast_in_dim3A_64 = vector.shape_cast %select_n3A_20 : vector<16xi32> to vector<16x1xi32>
    %gather3A_65 = vector.shape_cast %broadcast_in_dim3A_64 : vector<16x1xi32> to vector<16xi32>
    %gather3A_66 = tpu.dynamic_gather %get3A_60[%gather3A_65] in [0] : vector<16xf32>, vector<16xi32> -> vector<16xf32>
    %swap3A_67 = arith.constant 32 : index
    %swap3A_68 = tpu.vector_load %arg8[%swap3A_67] {strides = array<i32>} : memref<128xf32, #tpu.memory_space<vmem>>, vector<16xf32>,
    %swap3A_69 = vector.shape_cast %swap3A_68 : vector<16xf32> to vector<16xf32>
    %swap3A_70 = vector.shape_cast %gather3A_66 : vector<16xf32> to vector<16xf32>
    tpu.vector_store %arg8[%swap3A_67], %swap3A_70 {strides = array<i32>} : memref<128xf32, #tpu.memory_space<vmem>>, vector<16xf32>,
    %add3A_71 = arith.addf %get3A_60, %get3A_63 : vector<16xf32>
    %min3A_72 = arith.constant 1.000000e+00 : f32
    %min3A_73 = vector.broadcast %min3A_72 : f32 to vector<16xf32>
    %min3A_74 = arith.minimumf %add3A_71, %min3A_73 : vector<16xf32>
    %swap3A_75 = arith.constant 32 : index
    %swap3A_76 = tpu.vector_load %arg9[%swap3A_75] {strides = array<i32>} : memref<128xf32, #tpu.memory_space<vmem>>, vector<16xf32>,
    %swap3A_77 = vector.shape_cast %swap3A_76 : vector<16xf32> to vector<16xf32>
    %swap3A_78 = vector.shape_cast %min3A_74 : vector<16xf32> to vector<16xf32>
    tpu.vector_store %arg9[%swap3A_75], %swap3A_78 {strides = array<i32>} : memref<128xf32, #tpu.memory_space<vmem>>, vector<16xf32>,
    %get3A_79 = arith.constant 48 : index
    %get3A_80 = tpu.vector_load %arg6[%get3A_79] {strides = array<i32>} : memref<128xf32, #tpu.memory_space<vmem>>, vector<16xf32>,
    %get3A_81 = vector.shape_cast %get3A_80 : vector<16xf32> to vector<16xf32>
    %get3A_82 = arith.constant 48 : index
    %get3A_83 = tpu.vector_load %arg7[%get3A_82] {strides = array<i32>} : memref<128xf32, #tpu.memory_space<vmem>>, vector<16xf32>,
    %get3A_84 = vector.shape_cast %get3A_83 : vector<16xf32> to vector<16xf32>
    %broadcast_in_dim3A_85 = vector.shape_cast %select_n3A_20 : vector<16xi32> to vector<16x1xi32>
    %gather3A_86 = vector.shape_cast %broadcast_in_dim3A_85 : vector<16x1xi32> to vector<16xi32>
    %gather3A_87 = tpu.dynamic_gather %get3A_81[%gather3A_86] in [0] : vector<16xf32>, vector<16xi32> -> vector<16xf32>
    %swap3A_88 = arith.constant 48 : index
    %swap3A_89 = tpu.vector_load %arg8[%swap3A_88] {strides = array<i32>} : memref<128xf32, #tpu.memory_space<vmem>>, vector<16xf32>,
    %swap3A_90 = vector.shape_cast %swap3A_89 : vector<16xf32> to vector<16xf32>
    %swap3A_91 = vector.shape_cast %gather3A_87 : vector<16xf32> to vector<16xf32>
    tpu.vector_store %arg8[%swap3A_88], %swap3A_91 {strides = array<i32>} : memref<128xf32, #tpu.memory_space<vmem>>, vector<16xf32>,
    %add3A_92 = arith.addf %get3A_81, %get3A_84 : vector<16xf32>
    %min3A_93 = arith.constant 1.000000e+00 : f32
    %min3A_94 = vector.broadcast %min3A_93 : f32 to vector<16xf32>
    %min3A_95 = arith.minimumf %add3A_92, %min3A_94 : vector<16xf32>
    %swap3A_96 = arith.constant 48 : index
    %swap3A_97 = tpu.vector_load %arg9[%swap3A_96] {strides = array<i32>} : memref<128xf32, #tpu.memory_space<vmem>>, vector<16xf32>,
    %swap3A_98 = vector.shape_cast %swap3A_97 : vector<16xf32> to vector<16xf32>
    %swap3A_99 = vector.shape_cast %min3A_95 : vector<16xf32> to vector<16xf32>
    tpu.vector_store %arg9[%swap3A_96], %swap3A_99 {strides = array<i32>} : memref<128xf32, #tpu.memory_space<vmem>>, vector<16xf32>,
    %get3A_100 = arith.constant 64 : index
    %get3A_101 = tpu.vector_load %arg6[%get3A_100] {strides = array<i32>} : memref<128xf32, #tpu.memory_space<vmem>>, vector<16xf32>,
    %get3A_102 = vector.shape_cast %get3A_101 : vector<16xf32> to vector<16xf32>
    %get3A_103 = arith.constant 64 : index
    %get3A_104 = tpu.vector_load %arg7[%get3A_103] {strides = array<i32>} : memref<128xf32, #tpu.memory_space<vmem>>, vector<16xf32>,
    %get3A_105 = vector.shape_cast %get3A_104 : vector<16xf32> to vector<16xf32>
    %broadcast_in_dim3A_106 = vector.shape_cast %select_n3A_20 : vector<16xi32> to vector<16x1xi32>
    %gather3A_107 = vector.shape_cast %broadcast_in_dim3A_106 : vector<16x1xi32> to vector<16xi32>
    %gather3A_108 = tpu.dynamic_gather %get3A_102[%gather3A_107] in [0] : vector<16xf32>, vector<16xi32> -> vector<16xf32>
    %swap3A_109 = arith.constant 64 : index
    %swap3A_110 = tpu.vector_load %arg8[%swap3A_109] {strides = array<i32>} : memref<128xf32, #tpu.memory_space<vmem>>, vector<16xf32>,
    %swap3A_111 = vector.shape_cast %swap3A_110 : vector<16xf32> to vector<16xf32>
    %swap3A_112 = vector.shape_cast %gather3A_108 : vector<16xf32> to vector<16xf32>
    tpu.vector_store %arg8[%swap3A_109], %swap3A_112 {strides = array<i32>} : memref<128xf32, #tpu.memory_space<vmem>>, vector<16xf32>,
    %add3A_113 = arith.addf %get3A_102, %get3A_105 : vector<16xf32>
    %min3A_114 = arith.constant 1.000000e+00 : f32
    %min3A_115 = vector.broadcast %min3A_114 : f32 to vector<16xf32>
    %min3A_116 = arith.minimumf %add3A_113, %min3A_115 : vector<16xf32>
    %swap3A_117 = arith.constant 64 : index
    %swap3A_118 = tpu.vector_load %arg9[%swap3A_117] {strides = array<i32>} : memref<128xf32, #tpu.memory_space<vmem>>, vector<16xf32>,
    %swap3A_119 = vector.shape_cast %swap3A_118 : vector<16xf32> to vector<16xf32>
    %swap3A_120 = vector.shape_cast %min3A_116 : vector<16xf32> to vector<16xf32>
    tpu.vector_store %arg9[%swap3A_117], %swap3A_120 {strides = array<i32>} : memref<128xf32, #tpu.memory_space<vmem>>, vector<16xf32>,
    %get3A_121 = arith.constant 80 : index
    %get3A_122 = tpu.vector_load %arg6[%get3A_121] {strides = array<i32>} : memref<128xf32, #tpu.memory_space<vmem>>, vector<16xf32>,
    %get3A_123 = vector.shape_cast %get3A_122 : vector<16xf32> to vector<16xf32>
    %get3A_124 = arith.constant 80 : index
    %get3A_125 = tpu.vector_load %arg7[%get3A_124] {strides = array<i32>} : memref<128xf32, #tpu.memory_space<vmem>>, vector<16xf32>,
    %get3A_126 = vector.shape_cast %get3A_125 : vector<16xf32> to vector<16xf32>
    %broadcast_in_dim3A_127 = vector.shape_cast %select_n3A_20 : vector<16xi32> to vector<16x1xi32>
    %gather3A_128 = vector.shape_cast %broadcast_in_dim3A_127 : vector<16x1xi32> to vector<16xi32>
    %gather3A_129 = tpu.dynamic_gather %get3A_123[%gather3A_128] in [0] : vector<16xf32>, vector<16xi32> -> vector<16xf32>
    %swap3A_130 = arith.constant 80 : index
    %swap3A_131 = tpu.vector_load %arg8[%swap3A_130] {strides = array<i32>} : memref<128xf32, #tpu.memory_space<vmem>>, vector<16xf32>,
    %swap3A_132 = vector.shape_cast %swap3A_131 : vector<16xf32> to vector<16xf32>
    %swap3A_133 = vector.shape_cast %gather3A_129 : vector<16xf32> to vector<16xf32>
    tpu.vector_store %arg8[%swap3A_130], %swap3A_133 {strides = array<i32>} : memref<128xf32, #tpu.memory_space<vmem>>, vector<16xf32>,
    %add3A_134 = arith.addf %get3A_123, %get3A_126 : vector<16xf32>
    %min3A_135 = arith.constant 1.000000e+00 : f32
    %min3A_136 = vector.broadcast %min3A_135 : f32 to vector<16xf32>
    %min3A_137 = arith.minimumf %add3A_134, %min3A_136 : vector<16xf32>
    %swap3A_138 = arith.constant 80 : index
    %swap3A_139 = tpu.vector_load %arg9[%swap3A_138] {strides = array<i32>} : memref<128xf32, #tpu.memory_space<vmem>>, vector<16xf32>,
    %swap3A_140 = vector.shape_cast %swap3A_139 : vector<16xf32> to vector<16xf32>
    %swap3A_141 = vector.shape_cast %min3A_137 : vector<16xf32> to vector<16xf32>
    tpu.vector_store %arg9[%swap3A_138], %swap3A_141 {strides = array<i32>} : memref<128xf32, #tpu.memory_space<vmem>>, vector<16xf32>,
    %get3A_142 = arith.constant 96 : index
    %get3A_143 = tpu.vector_load %arg6[%get3A_142] {strides = array<i32>} : memref<128xf32, #tpu.memory_space<vmem>>, vector<16xf32>,
    %get3A_144 = vector.shape_cast %get3A_143 : vector<16xf32> to vector<16xf32>
    %get3A_145 = arith.constant 96 : index
    %get3A_146 = tpu.vector_load %arg7[%get3A_145] {strides = array<i32>} : memref<128xf32, #tpu.memory_space<vmem>>, vector<16xf32>,
    %get3A_147 = vector.shape_cast %get3A_146 : vector<16xf32> to vector<16xf32>
    %broadcast_in_dim3A_148 = vector.shape_cast %select_n3A_20 : vector<16xi32> to vector<16x1xi32>
    %gather3A_149 = vector.shape_cast %broadcast_in_dim3A_148 : vector<16x1xi32> to vector<16xi32>
    %gather3A_150 = tpu.dynamic_gather %get3A_144[%gather3A_149] in [0] : vector<16xf32>, vector<16xi32> -> vector<16xf32>
    %swap3A_151 = arith.constant 96 : index
    %swap3A_152 = tpu.vector_load %arg8[%swap3A_151] {strides = array<i32>} : memref<128xf32, #tpu.memory_space<vmem>>, vector<16xf32>,
    %swap3A_153 = vector.shape_cast %swap3A_152 : vector<16xf32> to vector<16xf32>
    %swap3A_154 = vector.shape_cast %gather3A_150 : vector<16xf32> to vector<16xf32>
    tpu.vector_store %arg8[%swap3A_151], %swap3A_154 {strides = array<i32>} : memref<128xf32, #tpu.memory_space<vmem>>, vector<16xf32>,
    %add3A_155 = arith.addf %get3A_144, %get3A_147 : vector<16xf32>
    %min3A_156 = arith.constant 1.000000e+00 : f32
    %min3A_157 = vector.broadcast %min3A_156 : f32 to vector<16xf32>
    %min3A_158 = arith.minimumf %add3A_155, %min3A_157 : vector<16xf32>
    %swap3A_159 = arith.constant 96 : index
    %swap3A_160 = tpu.vector_load %arg9[%swap3A_159] {strides = array<i32>} : memref<128xf32, #tpu.memory_space<vmem>>, vector<16xf32>,
    %swap3A_161 = vector.shape_cast %swap3A_160 : vector<16xf32> to vector<16xf32>
    %swap3A_162 = vector.shape_cast %min3A_158 : vector<16xf32> to vector<16xf32>
    tpu.vector_store %arg9[%swap3A_159], %swap3A_162 {strides = array<i32>} : memref<128xf32, #tpu.memory_space<vmem>>, vector<16xf32>,
    %get3A_163 = arith.constant 112 : index
    %get3A_164 = tpu.vector_load %arg6[%get3A_163] {strides = array<i32>} : memref<128xf32, #tpu.memory_space<vmem>>, vector<16xf32>,
    %get3A_165 = vector.shape_cast %get3A_164 : vector<16xf32> to vector<16xf32>
    %get3A_166 = arith.constant 112 : index
    %get3A_167 = tpu.vector_load %arg7[%get3A_166] {strides = array<i32>} : memref<128xf32, #tpu.memory_space<vmem>>, vector<16xf32>,
    %get3A_168 = vector.shape_cast %get3A_167 : vector<16xf32> to vector<16xf32>
    %broadcast_in_dim3A_169 = vector.shape_cast %select_n3A_20 : vector<16xi32> to vector<16x1xi32>
    %gather3A_170 = vector.shape_cast %broadcast_in_dim3A_169 : vector<16x1xi32> to vector<16xi32>
    %gather3A_171 = tpu.dynamic_gather %get3A_165[%gather3A_170] in [0] : vector<16xf32>, vector<16xi32> -> vector<16xf32>
    %swap3A_172 = arith.constant 112 : index
    %swap3A_173 = tpu.vector_load %arg8[%swap3A_172] {strides = array<i32>} : memref<128xf32, #tpu.memory_space<vmem>>, vector<16xf32>,
    %swap3A_174 = vector.shape_cast %swap3A_173 : vector<16xf32> to vector<16xf32>
    %swap3A_175 = vector.shape_cast %gather3A_171 : vector<16xf32> to vector<16xf32>
    tpu.vector_store %arg8[%swap3A_172], %swap3A_175 {strides = array<i32>} : memref<128xf32, #tpu.memory_space<vmem>>, vector<16xf32>,
    %add3A_176 = arith.addf %get3A_165, %get3A_168 : vector<16xf32>
    %min3A_177 = arith.constant 1.000000e+00 : f32
    %min3A_178 = vector.broadcast %min3A_177 : f32 to vector<16xf32>
    %min3A_179 = arith.minimumf %add3A_176, %min3A_178 : vector<16xf32>
    %swap3A_180 = arith.constant 112 : index
    %swap3A_181 = tpu.vector_load %arg9[%swap3A_180] {strides = array<i32>} : memref<128xf32, #tpu.memory_space<vmem>>, vector<16xf32>,
    %swap3A_182 = vector.shape_cast %swap3A_181 : vector<16xf32> to vector<16xf32>
    %swap3A_183 = vector.shape_cast %min3A_179 : vector<16xf32> to vector<16xf32>
    tpu.vector_store %arg9[%swap3A_180], %swap3A_183 {strides = array<i32>} : memref<128xf32, #tpu.memory_space<vmem>>, vector<16xf32>,
    "tpu.region"() ({
      %run_scoped3A = tpu.sem_alloc : memref<!tpu.dma_semaphore, #tpu.memory_space<semaphore_mem>>
      %dma_start3A = tpu.memref_slice %arg4[%mul3A_2] : memref<4096xf32, #tpu.memory_space<hbm>> -> memref<128xf32, #tpu.memory_space<hbm>>
      %dma_start3A_184 = tpu.memref_slice %arg4[%mul3A_2] : memref<4096xf32, #tpu.memory_space<hbm>> -> memref<128xf32, #tpu.memory_space<hbm>>
      tpu.enqueue_dma source(%arg8 : memref<128xf32, #tpu.memory_space<vmem>>) target(%dma_start3A_184 : memref<128xf32, #tpu.memory_space<hbm>>) target_semaphore(%run_scoped3A : memref<!tpu.dma_semaphore, #tpu.memory_space<semaphore_mem>>)
      %dma_wait3A = tpu.memref_slice %arg4[%mul3A_2] : memref<4096xf32, #tpu.memory_space<hbm>> -> memref<128xf32, #tpu.memory_space<hbm>>
      %dma_wait3A_185 = tpu.memref_slice %arg4[%mul3A_2] : memref<4096xf32, #tpu.memory_space<hbm>> -> memref<128xf32, #tpu.memory_space<hbm>>
      tpu.wait_dma2 semaphore(%run_scoped3A : memref<!tpu.dma_semaphore, #tpu.memory_space<semaphore_mem>>) src(%arg8 : memref<128xf32, #tpu.memory_space<vmem>>) dst(%dma_wait3A_185 : memref<128xf32, #tpu.memory_space<hbm>>)
      tpu.yield
    }) : () -> ()
    "tpu.region"() ({
      %run_scoped3A = tpu.sem_alloc : memref<!tpu.dma_semaphore, #tpu.memory_space<semaphore_mem>>
      %dma_start3A = tpu.memref_slice %arg5[%mul3A_2] : memref<4096xf32, #tpu.memory_space<hbm>> -> memref<128xf32, #tpu.memory_space<hbm>>
      %dma_start3A_184 = tpu.memref_slice %arg5[%mul3A_2] : memref<4096xf32, #tpu.memory_space<hbm>> -> memref<128xf32, #tpu.memory_space<hbm>>
      tpu.enqueue_dma source(%arg9 : memref<128xf32, #tpu.memory_space<vmem>>) target(%dma_start3A_184 : memref<128xf32, #tpu.memory_space<hbm>>) target_semaphore(%run_scoped3A : memref<!tpu.dma_semaphore, #tpu.memory_space<semaphore_mem>>)
      %dma_wait3A = tpu.memref_slice %arg5[%mul3A_2] : memref<4096xf32, #tpu.memory_space<hbm>> -> memref<128xf32, #tpu.memory_space<hbm>>
      %dma_wait3A_185 = tpu.memref_slice %arg5[%mul3A_2] : memref<4096xf32, #tpu.memory_space<hbm>> -> memref<128xf32, #tpu.memory_space<hbm>>
      tpu.wait_dma2 semaphore(%run_scoped3A : memref<!tpu.dma_semaphore, #tpu.memory_space<semaphore_mem>>) src(%arg9 : memref<128xf32, #tpu.memory_space<vmem>>) dst(%dma_wait3A_185 : memref<128xf32, #tpu.memory_space<hbm>>)
      tpu.yield
    }) : () -> ()
    return
  }
}

module attributes {stable_mosaic.version = 14 : i64} {
  func.func @_body(%arg0: i32, %arg1: memref<1x2000x1xi32, #tpu.memory_space<vmem>>, %arg2: memref<2000x128xf32, #tpu.memory_space<vmem>>, %arg3: memref<256x2048xf32, #tpu.memory_space<vmem>>, %arg4: memref<4096x128xf32, #tpu.memory_space<vmem>>, %arg5: memref<256x16xf32, #tpu.memory_space<vmem>>, %arg6: memref<256x16xf32, #tpu.memory_space<vmem>>, %arg7: memref<128x128xbf16, #tpu.memory_space<vmem>>, %arg8: memref<1x128xf32, #tpu.memory_space<vmem>>, %arg9: memref<128x4xbf16, #tpu.memory_space<vmem>>, %arg10: memref<1x4xf32, #tpu.memory_space<vmem>>, %arg11: memref<2048x64xf32, #tpu.memory_space<vmem>>, %arg12: memref<1x64xf32, #tpu.memory_space<vmem>>, %arg13: memref<64x16xf32, #tpu.memory_space<vmem>>, %arg14: memref<1x1xf32, #tpu.memory_space<vmem>>, %arg15: memref<128x128xbf16, #tpu.memory_space<vmem>>, %arg16: memref<1x128xf32, #tpu.memory_space<vmem>>, %arg17: memref<4x64xf32, #tpu.memory_space<vmem>>, %arg18: memref<64x4xf32, #tpu.memory_space<vmem>>, %arg19: memref<2000x128xf32, #tpu.memory_space<vmem>>, %arg20: memref<256x2048xf32, #tpu.memory_space<vmem>>, %arg21: memref<256x128xf32, #tpu.memory_space<vmem>>, %arg22: memref<256x128xf32, #tpu.memory_space<vmem>>, %arg23: memref<4096x128xbf16, #tpu.memory_space<vmem>>) attributes {dimension_semantics = [#tpu.dimension_semantics<arbitrary>], iteration_bounds = array<i64: 25>, scalar_prefetch = 0 : i64, scratch_operands = 3 : i64, tpu.core_type = #tpu.core_type<tc>, window_params = [{transform_indices = @transform_0, window_bounds = array<i64: 1, 2000, 1>}, {transform_indices = @transform_1, window_bounds = array<i64: 2000, 128>}, {pipeline_mode = #tpu.pipeline_mode<synchronous>, transform_indices = @transform_2, window_bounds = array<i64: 256, 2048>}, {pipeline_mode = #tpu.pipeline_mode<synchronous>, transform_indices = @transform_3, window_bounds = array<i64: 4096, 128>}, {pipeline_mode = #tpu.pipeline_mode<synchronous>, transform_indices = @transform_4, window_bounds = array<i64: 256, 16>}, {pipeline_mode = #tpu.pipeline_mode<synchronous>, transform_indices = @transform_5, window_bounds = array<i64: 256, 16>}, {pipeline_mode = #tpu.pipeline_mode<synchronous>, transform_indices = @transform_6, window_bounds = array<i64: 128, 128>}, {pipeline_mode = #tpu.pipeline_mode<synchronous>, transform_indices = @transform_7, window_bounds = array<i64: 1, 128>}, {pipeline_mode = #tpu.pipeline_mode<synchronous>, transform_indices = @transform_8, window_bounds = array<i64: 128, 4>}, {pipeline_mode = #tpu.pipeline_mode<synchronous>, transform_indices = @transform_9, window_bounds = array<i64: 1, 4>}, {pipeline_mode = #tpu.pipeline_mode<synchronous>, transform_indices = @transform_10, window_bounds = array<i64: 2048, 64>}, {pipeline_mode = #tpu.pipeline_mode<synchronous>, transform_indices = @transform_11, window_bounds = array<i64: 1, 64>}, {pipeline_mode = #tpu.pipeline_mode<synchronous>, transform_indices = @transform_12, window_bounds = array<i64: 64, 16>}, {pipeline_mode = #tpu.pipeline_mode<synchronous>, transform_indices = @transform_13, window_bounds = array<i64: 1, 1>}, {pipeline_mode = #tpu.pipeline_mode<synchronous>, transform_indices = @transform_14, window_bounds = array<i64: 128, 128>}, {pipeline_mode = #tpu.pipeline_mode<synchronous>, transform_indices = @transform_15, window_bounds = array<i64: 1, 128>}, {pipeline_mode = #tpu.pipeline_mode<synchronous>, transform_indices = @transform_16, window_bounds = array<i64: 4, 64>}, {pipeline_mode = #tpu.pipeline_mode<synchronous>, transform_indices = @transform_17, window_bounds = array<i64: 64, 4>}, {transform_indices = @transform_18, window_bounds = array<i64: 2000, 128>}, {pipeline_mode = #tpu.pipeline_mode<synchronous>, transform_indices = @transform_19, window_bounds = array<i64: 256, 2048>}]} {
    %eq3A = arith.constant 0 : i32
    %eq3A_0 = arith.cmpi eq, %arg0, %eq3A : i32
    %convert_element_type3A = arith.extui %eq3A_0 : i1 to i32
    %cond3A = arith.constant 0 : i32
    %cond3A_1 = arith.cmpi ne, %convert_element_type3A, %cond3A : i32
    scf.if %cond3A_1 {
      %broadcast_in_dim3A_247 = arith.constant 0.000000e+00 : f32
      %broadcast_in_dim3A_248 = vector.broadcast %broadcast_in_dim3A_247 : f32 to vector<256x128xf32>
      %swap3A_249 = arith.constant 0 : index
      %swap3A_250 = arith.constant 0 : index
      %swap3A_251 = vector.load %arg21[%swap3A_249, %swap3A_250] : memref<256x128xf32, #tpu.memory_space<vmem>>, vector<256x128xf32>
      tpu.vector_store %arg21[%swap3A_249, %swap3A_250], %broadcast_in_dim3A_248 {strides = array<i32>} : memref<256x128xf32, #tpu.memory_space<vmem>>, vector<256x128xf32>,
      %get3A_252 = arith.constant 0 : index
      %get3A_253 = arith.constant 0 : index
      %get3A_254 = vector.load %arg3[%get3A_252, %get3A_253] : memref<256x2048xf32, #tpu.memory_space<vmem>>, vector<256x2048xf32>
      %get3A_255 = arith.constant 0 : index
      %get3A_256 = arith.constant 0 : index
      %get3A_257 = vector.load %arg11[%get3A_255, %get3A_256] : memref<2048x64xf32, #tpu.memory_space<vmem>>, vector<2048x64xf32>
      %dot_general3A_258 = arith.constant dense<0.000000e+00> : vector<256x64xf32>
      %dot_general3A_259 = tpu.matmul %get3A_254, %get3A_257, %dot_general3A_258 {dimension_numbers = #tpu.dot_dimension_numbers<[1], [0], [0], [1], [0, 0, 1, 1], [], []>, transpose_lhs_hint = false} : vector<256x2048xf32>, vector<2048x64xf32>, vector<256x64xf32> -> vector<256x64xf32>
      %get3A_260 = arith.constant 0 : index
      %get3A_261 = arith.constant 0 : index
      %get3A_262 = vector.load %arg12[%get3A_260, %get3A_261] : memref<1x64xf32, #tpu.memory_space<vmem>>, vector<1x64xf32>
      %add3A_263 = vector.broadcast %get3A_262 : vector<1x64xf32> to vector<256x64xf32>
      %add3A_264 = arith.addf %dot_general3A_259, %add3A_263 : vector<256x64xf32>
      %get3A_265 = arith.constant 0 : index
      %get3A_266 = arith.constant 0 : index
      %get3A_267 = vector.load %arg6[%get3A_265, %get3A_266] : memref<256x16xf32, #tpu.memory_space<vmem>>, vector<256x16xf32>
      %sub3A = arith.constant 1.000000e+00 : f32
      %sub3A_268 = vector.broadcast %sub3A : f32 to vector<256x16xf32>
      %sub3A_269 = arith.subf %get3A_267, %sub3A_268 : vector<256x16xf32>
      %mul3A_270 = arith.constant 1.000000e+09 : f32
      %mul3A_271 = vector.broadcast %mul3A_270 : f32 to vector<256x16xf32>
      %mul3A_272 = arith.mulf %sub3A_269, %mul3A_271 : vector<256x16xf32>
      %concatenate3A = tpu.concatenate %add3A_264, %mul3A_272, %mul3A_272, %mul3A_272, %mul3A_272 in 1 : vector<256x64xf32>, vector<256x16xf32>, vector<256x16xf32>, vector<256x16xf32>, vector<256x16xf32> -> vector<256x128xf32>
      %swap3A_273 = arith.constant 0 : index
      %swap3A_274 = arith.constant 0 : index
      %swap3A_275 = vector.load %arg22[%swap3A_273, %swap3A_274] : memref<256x128xf32, #tpu.memory_space<vmem>>, vector<256x128xf32>
      tpu.vector_store %arg22[%swap3A_273, %swap3A_274], %concatenate3A {strides = array<i32>} : memref<256x128xf32, #tpu.memory_space<vmem>>, vector<256x128xf32>,
      %get3A_276 = arith.constant 0 : index
      %get3A_277 = arith.constant 0 : index
      %get3A_278 = vector.load %arg4[%get3A_276, %get3A_277] : memref<4096x128xf32, #tpu.memory_space<vmem>>, vector<256x128xf32>
      %convert_element_type3A_279 = arith.truncf %get3A_278 : vector<256x128xf32> to vector<256x128xbf16>
      %get3A_280 = arith.constant 0 : index
      %get3A_281 = arith.constant 0 : index
      %get3A_282 = vector.load %arg15[%get3A_280, %get3A_281] : memref<128x128xbf16, #tpu.memory_space<vmem>>, vector<128x128xbf16>
      %dot_general3A_283 = arith.constant dense<0.000000e+00> : vector<256x128xf32>
      %dot_general3A_284 = tpu.matmul %convert_element_type3A_279, %get3A_282, %dot_general3A_283 {dimension_numbers = #tpu.dot_dimension_numbers<[1], [0], [0], [1], [0, 0, 1, 1], [], []>, transpose_lhs_hint = false} : vector<256x128xbf16>, vector<128x128xbf16>, vector<256x128xf32> -> vector<256x128xf32>
      %convert_element_type3A_285 = arith.truncf %dot_general3A_284 : vector<256x128xf32> to vector<256x128xbf16>
      %swap3A_286 = arith.constant 0 : index
      %swap3A_287 = arith.constant 0 : index
      %swap3A_288 = vector.load %arg23[%swap3A_286, %swap3A_287] : memref<4096x128xbf16, #tpu.memory_space<vmem>>, vector<256x128xbf16>
      tpu.vector_store %arg23[%swap3A_286, %swap3A_287], %convert_element_type3A_285 {strides = array<i32>} : memref<4096x128xbf16, #tpu.memory_space<vmem>>, vector<256x128xbf16>,
      %get3A_289 = arith.constant 256 : index
      %get3A_290 = arith.constant 0 : index
      %get3A_291 = vector.load %arg4[%get3A_289, %get3A_290] : memref<4096x128xf32, #tpu.memory_space<vmem>>, vector<256x128xf32>
      %convert_element_type3A_292 = arith.truncf %get3A_291 : vector<256x128xf32> to vector<256x128xbf16>
      %get3A_293 = arith.constant 0 : index
      %get3A_294 = arith.constant 0 : index
      %get3A_295 = vector.load %arg15[%get3A_293, %get3A_294] : memref<128x128xbf16, #tpu.memory_space<vmem>>, vector<128x128xbf16>
      %dot_general3A_296 = arith.constant dense<0.000000e+00> : vector<256x128xf32>
      %dot_general3A_297 = tpu.matmul %convert_element_type3A_292, %get3A_295, %dot_general3A_296 {dimension_numbers = #tpu.dot_dimension_numbers<[1], [0], [0], [1], [0, 0, 1, 1], [], []>, transpose_lhs_hint = false} : vector<256x128xbf16>, vector<128x128xbf16>, vector<256x128xf32> -> vector<256x128xf32>
      %convert_element_type3A_298 = arith.truncf %dot_general3A_297 : vector<256x128xf32> to vector<256x128xbf16>
      %swap3A_299 = arith.constant 256 : index
      %swap3A_300 = arith.constant 0 : index
      %swap3A_301 = vector.load %arg23[%swap3A_299, %swap3A_300] : memref<4096x128xbf16, #tpu.memory_space<vmem>>, vector<256x128xbf16>
      tpu.vector_store %arg23[%swap3A_299, %swap3A_300], %convert_element_type3A_298 {strides = array<i32>} : memref<4096x128xbf16, #tpu.memory_space<vmem>>, vector<256x128xbf16>,
      %get3A_302 = arith.constant 512 : index
      %get3A_303 = arith.constant 0 : index
      %get3A_304 = vector.load %arg4[%get3A_302, %get3A_303] : memref<4096x128xf32, #tpu.memory_space<vmem>>, vector<256x128xf32>
      %convert_element_type3A_305 = arith.truncf %get3A_304 : vector<256x128xf32> to vector<256x128xbf16>
      %get3A_306 = arith.constant 0 : index
      %get3A_307 = arith.constant 0 : index
      %get3A_308 = vector.load %arg15[%get3A_306, %get3A_307] : memref<128x128xbf16, #tpu.memory_space<vmem>>, vector<128x128xbf16>
      %dot_general3A_309 = arith.constant dense<0.000000e+00> : vector<256x128xf32>
      %dot_general3A_310 = tpu.matmul %convert_element_type3A_305, %get3A_308, %dot_general3A_309 {dimension_numbers = #tpu.dot_dimension_numbers<[1], [0], [0], [1], [0, 0, 1, 1], [], []>, transpose_lhs_hint = false} : vector<256x128xbf16>, vector<128x128xbf16>, vector<256x128xf32> -> vector<256x128xf32>
      %convert_element_type3A_311 = arith.truncf %dot_general3A_310 : vector<256x128xf32> to vector<256x128xbf16>
      %swap3A_312 = arith.constant 512 : index
      %swap3A_313 = arith.constant 0 : index
      %swap3A_314 = vector.load %arg23[%swap3A_312, %swap3A_313] : memref<4096x128xbf16, #tpu.memory_space<vmem>>, vector<256x128xbf16>
      tpu.vector_store %arg23[%swap3A_312, %swap3A_313], %convert_element_type3A_311 {strides = array<i32>} : memref<4096x128xbf16, #tpu.memory_space<vmem>>, vector<256x128xbf16>,
      %get3A_315 = arith.constant 768 : index
      %get3A_316 = arith.constant 0 : index
      %get3A_317 = vector.load %arg4[%get3A_315, %get3A_316] : memref<4096x128xf32, #tpu.memory_space<vmem>>, vector<256x128xf32>
      %convert_element_type3A_318 = arith.truncf %get3A_317 : vector<256x128xf32> to vector<256x128xbf16>
      %get3A_319 = arith.constant 0 : index
      %get3A_320 = arith.constant 0 : index
      %get3A_321 = vector.load %arg15[%get3A_319, %get3A_320] : memref<128x128xbf16, #tpu.memory_space<vmem>>, vector<128x128xbf16>
      %dot_general3A_322 = arith.constant dense<0.000000e+00> : vector<256x128xf32>
      %dot_general3A_323 = tpu.matmul %convert_element_type3A_318, %get3A_321, %dot_general3A_322 {dimension_numbers = #tpu.dot_dimension_numbers<[1], [0], [0], [1], [0, 0, 1, 1], [], []>, transpose_lhs_hint = false} : vector<256x128xbf16>, vector<128x128xbf16>, vector<256x128xf32> -> vector<256x128xf32>
      %convert_element_type3A_324 = arith.truncf %dot_general3A_323 : vector<256x128xf32> to vector<256x128xbf16>
      %swap3A_325 = arith.constant 768 : index
      %swap3A_326 = arith.constant 0 : index
      %swap3A_327 = vector.load %arg23[%swap3A_325, %swap3A_326] : memref<4096x128xbf16, #tpu.memory_space<vmem>>, vector<256x128xbf16>
      tpu.vector_store %arg23[%swap3A_325, %swap3A_326], %convert_element_type3A_324 {strides = array<i32>} : memref<4096x128xbf16, #tpu.memory_space<vmem>>, vector<256x128xbf16>,
      %get3A_328 = arith.constant 1024 : index
      %get3A_329 = arith.constant 0 : index
      %get3A_330 = vector.load %arg4[%get3A_328, %get3A_329] : memref<4096x128xf32, #tpu.memory_space<vmem>>, vector<256x128xf32>
      %convert_element_type3A_331 = arith.truncf %get3A_330 : vector<256x128xf32> to vector<256x128xbf16>
      %get3A_332 = arith.constant 0 : index
      %get3A_333 = arith.constant 0 : index
      %get3A_334 = vector.load %arg15[%get3A_332, %get3A_333] : memref<128x128xbf16, #tpu.memory_space<vmem>>, vector<128x128xbf16>
      %dot_general3A_335 = arith.constant dense<0.000000e+00> : vector<256x128xf32>
      %dot_general3A_336 = tpu.matmul %convert_element_type3A_331, %get3A_334, %dot_general3A_335 {dimension_numbers = #tpu.dot_dimension_numbers<[1], [0], [0], [1], [0, 0, 1, 1], [], []>, transpose_lhs_hint = false} : vector<256x128xbf16>, vector<128x128xbf16>, vector<256x128xf32> -> vector<256x128xf32>
      %convert_element_type3A_337 = arith.truncf %dot_general3A_336 : vector<256x128xf32> to vector<256x128xbf16>
      %swap3A_338 = arith.constant 1024 : index
      %swap3A_339 = arith.constant 0 : index
      %swap3A_340 = vector.load %arg23[%swap3A_338, %swap3A_339] : memref<4096x128xbf16, #tpu.memory_space<vmem>>, vector<256x128xbf16>
      tpu.vector_store %arg23[%swap3A_338, %swap3A_339], %convert_element_type3A_337 {strides = array<i32>} : memref<4096x128xbf16, #tpu.memory_space<vmem>>, vector<256x128xbf16>,
      %get3A_341 = arith.constant 1280 : index
      %get3A_342 = arith.constant 0 : index
      %get3A_343 = vector.load %arg4[%get3A_341, %get3A_342] : memref<4096x128xf32, #tpu.memory_space<vmem>>, vector<256x128xf32>
      %convert_element_type3A_344 = arith.truncf %get3A_343 : vector<256x128xf32> to vector<256x128xbf16>
      %get3A_345 = arith.constant 0 : index
      %get3A_346 = arith.constant 0 : index
      %get3A_347 = vector.load %arg15[%get3A_345, %get3A_346] : memref<128x128xbf16, #tpu.memory_space<vmem>>, vector<128x128xbf16>
      %dot_general3A_348 = arith.constant dense<0.000000e+00> : vector<256x128xf32>
      %dot_general3A_349 = tpu.matmul %convert_element_type3A_344, %get3A_347, %dot_general3A_348 {dimension_numbers = #tpu.dot_dimension_numbers<[1], [0], [0], [1], [0, 0, 1, 1], [], []>, transpose_lhs_hint = false} : vector<256x128xbf16>, vector<128x128xbf16>, vector<256x128xf32> -> vector<256x128xf32>
      %convert_element_type3A_350 = arith.truncf %dot_general3A_349 : vector<256x128xf32> to vector<256x128xbf16>
      %swap3A_351 = arith.constant 1280 : index
      %swap3A_352 = arith.constant 0 : index
      %swap3A_353 = vector.load %arg23[%swap3A_351, %swap3A_352] : memref<4096x128xbf16, #tpu.memory_space<vmem>>, vector<256x128xbf16>
      tpu.vector_store %arg23[%swap3A_351, %swap3A_352], %convert_element_type3A_350 {strides = array<i32>} : memref<4096x128xbf16, #tpu.memory_space<vmem>>, vector<256x128xbf16>,
      %get3A_354 = arith.constant 1536 : index
      %get3A_355 = arith.constant 0 : index
      %get3A_356 = vector.load %arg4[%get3A_354, %get3A_355] : memref<4096x128xf32, #tpu.memory_space<vmem>>, vector<256x128xf32>
      %convert_element_type3A_357 = arith.truncf %get3A_356 : vector<256x128xf32> to vector<256x128xbf16>
      %get3A_358 = arith.constant 0 : index
      %get3A_359 = arith.constant 0 : index
      %get3A_360 = vector.load %arg15[%get3A_358, %get3A_359] : memref<128x128xbf16, #tpu.memory_space<vmem>>, vector<128x128xbf16>
      %dot_general3A_361 = arith.constant dense<0.000000e+00> : vector<256x128xf32>
      %dot_general3A_362 = tpu.matmul %convert_element_type3A_357, %get3A_360, %dot_general3A_361 {dimension_numbers = #tpu.dot_dimension_numbers<[1], [0], [0], [1], [0, 0, 1, 1], [], []>, transpose_lhs_hint = false} : vector<256x128xbf16>, vector<128x128xbf16>, vector<256x128xf32> -> vector<256x128xf32>
      %convert_element_type3A_363 = arith.truncf %dot_general3A_362 : vector<256x128xf32> to vector<256x128xbf16>
      %swap3A_364 = arith.constant 1536 : index
      %swap3A_365 = arith.constant 0 : index
      %swap3A_366 = vector.load %arg23[%swap3A_364, %swap3A_365] : memref<4096x128xbf16, #tpu.memory_space<vmem>>, vector<256x128xbf16>
      tpu.vector_store %arg23[%swap3A_364, %swap3A_365], %convert_element_type3A_363 {strides = array<i32>} : memref<4096x128xbf16, #tpu.memory_space<vmem>>, vector<256x128xbf16>,
      %get3A_367 = arith.constant 1792 : index
      %get3A_368 = arith.constant 0 : index
      %get3A_369 = vector.load %arg4[%get3A_367, %get3A_368] : memref<4096x128xf32, #tpu.memory_space<vmem>>, vector<256x128xf32>
      %convert_element_type3A_370 = arith.truncf %get3A_369 : vector<256x128xf32> to vector<256x128xbf16>
      %get3A_371 = arith.constant 0 : index
      %get3A_372 = arith.constant 0 : index
      %get3A_373 = vector.load %arg15[%get3A_371, %get3A_372] : memref<128x128xbf16, #tpu.memory_space<vmem>>, vector<128x128xbf16>
      %dot_general3A_374 = arith.constant dense<0.000000e+00> : vector<256x128xf32>
      %dot_general3A_375 = tpu.matmul %convert_element_type3A_370, %get3A_373, %dot_general3A_374 {dimension_numbers = #tpu.dot_dimension_numbers<[1], [0], [0], [1], [0, 0, 1, 1], [], []>, transpose_lhs_hint = false} : vector<256x128xbf16>, vector<128x128xbf16>, vector<256x128xf32> -> vector<256x128xf32>
      %convert_element_type3A_376 = arith.truncf %dot_general3A_375 : vector<256x128xf32> to vector<256x128xbf16>
      %swap3A_377 = arith.constant 1792 : index
      %swap3A_378 = arith.constant 0 : index
      %swap3A_379 = vector.load %arg23[%swap3A_377, %swap3A_378] : memref<4096x128xbf16, #tpu.memory_space<vmem>>, vector<256x128xbf16>
      tpu.vector_store %arg23[%swap3A_377, %swap3A_378], %convert_element_type3A_376 {strides = array<i32>} : memref<4096x128xbf16, #tpu.memory_space<vmem>>, vector<256x128xbf16>,
      %get3A_380 = arith.constant 2048 : index
      %get3A_381 = arith.constant 0 : index
      %get3A_382 = vector.load %arg4[%get3A_380, %get3A_381] : memref<4096x128xf32, #tpu.memory_space<vmem>>, vector<256x128xf32>
      %convert_element_type3A_383 = arith.truncf %get3A_382 : vector<256x128xf32> to vector<256x128xbf16>
      %get3A_384 = arith.constant 0 : index
      %get3A_385 = arith.constant 0 : index
      %get3A_386 = vector.load %arg15[%get3A_384, %get3A_385] : memref<128x128xbf16, #tpu.memory_space<vmem>>, vector<128x128xbf16>
      %dot_general3A_387 = arith.constant dense<0.000000e+00> : vector<256x128xf32>
      %dot_general3A_388 = tpu.matmul %convert_element_type3A_383, %get3A_386, %dot_general3A_387 {dimension_numbers = #tpu.dot_dimension_numbers<[1], [0], [0], [1], [0, 0, 1, 1], [], []>, transpose_lhs_hint = false} : vector<256x128xbf16>, vector<128x128xbf16>, vector<256x128xf32> -> vector<256x128xf32>
      %convert_element_type3A_389 = arith.truncf %dot_general3A_388 : vector<256x128xf32> to vector<256x128xbf16>
      %swap3A_390 = arith.constant 2048 : index
      %swap3A_391 = arith.constant 0 : index
      %swap3A_392 = vector.load %arg23[%swap3A_390, %swap3A_391] : memref<4096x128xbf16, #tpu.memory_space<vmem>>, vector<256x128xbf16>
      tpu.vector_store %arg23[%swap3A_390, %swap3A_391], %convert_element_type3A_389 {strides = array<i32>} : memref<4096x128xbf16, #tpu.memory_space<vmem>>, vector<256x128xbf16>,
      %get3A_393 = arith.constant 2304 : index
      %get3A_394 = arith.constant 0 : index
      %get3A_395 = vector.load %arg4[%get3A_393, %get3A_394] : memref<4096x128xf32, #tpu.memory_space<vmem>>, vector<256x128xf32>
      %convert_element_type3A_396 = arith.truncf %get3A_395 : vector<256x128xf32> to vector<256x128xbf16>
      %get3A_397 = arith.constant 0 : index
      %get3A_398 = arith.constant 0 : index
      %get3A_399 = vector.load %arg15[%get3A_397, %get3A_398] : memref<128x128xbf16, #tpu.memory_space<vmem>>, vector<128x128xbf16>
      %dot_general3A_400 = arith.constant dense<0.000000e+00> : vector<256x128xf32>
      %dot_general3A_401 = tpu.matmul %convert_element_type3A_396, %get3A_399, %dot_general3A_400 {dimension_numbers = #tpu.dot_dimension_numbers<[1], [0], [0], [1], [0, 0, 1, 1], [], []>, transpose_lhs_hint = false} : vector<256x128xbf16>, vector<128x128xbf16>, vector<256x128xf32> -> vector<256x128xf32>
      %convert_element_type3A_402 = arith.truncf %dot_general3A_401 : vector<256x128xf32> to vector<256x128xbf16>
      %swap3A_403 = arith.constant 2304 : index
      %swap3A_404 = arith.constant 0 : index
      %swap3A_405 = vector.load %arg23[%swap3A_403, %swap3A_404] : memref<4096x128xbf16, #tpu.memory_space<vmem>>, vector<256x128xbf16>
      tpu.vector_store %arg23[%swap3A_403, %swap3A_404], %convert_element_type3A_402 {strides = array<i32>} : memref<4096x128xbf16, #tpu.memory_space<vmem>>, vector<256x128xbf16>,
      %get3A_406 = arith.constant 2560 : index
      %get3A_407 = arith.constant 0 : index
      %get3A_408 = vector.load %arg4[%get3A_406, %get3A_407] : memref<4096x128xf32, #tpu.memory_space<vmem>>, vector<256x128xf32>
      %convert_element_type3A_409 = arith.truncf %get3A_408 : vector<256x128xf32> to vector<256x128xbf16>
      %get3A_410 = arith.constant 0 : index
      %get3A_411 = arith.constant 0 : index
      %get3A_412 = vector.load %arg15[%get3A_410, %get3A_411] : memref<128x128xbf16, #tpu.memory_space<vmem>>, vector<128x128xbf16>
      %dot_general3A_413 = arith.constant dense<0.000000e+00> : vector<256x128xf32>
      %dot_general3A_414 = tpu.matmul %convert_element_type3A_409, %get3A_412, %dot_general3A_413 {dimension_numbers = #tpu.dot_dimension_numbers<[1], [0], [0], [1], [0, 0, 1, 1], [], []>, transpose_lhs_hint = false} : vector<256x128xbf16>, vector<128x128xbf16>, vector<256x128xf32> -> vector<256x128xf32>
      %convert_element_type3A_415 = arith.truncf %dot_general3A_414 : vector<256x128xf32> to vector<256x128xbf16>
      %swap3A_416 = arith.constant 2560 : index
      %swap3A_417 = arith.constant 0 : index
      %swap3A_418 = vector.load %arg23[%swap3A_416, %swap3A_417] : memref<4096x128xbf16, #tpu.memory_space<vmem>>, vector<256x128xbf16>
      tpu.vector_store %arg23[%swap3A_416, %swap3A_417], %convert_element_type3A_415 {strides = array<i32>} : memref<4096x128xbf16, #tpu.memory_space<vmem>>, vector<256x128xbf16>,
      %get3A_419 = arith.constant 2816 : index
      %get3A_420 = arith.constant 0 : index
      %get3A_421 = vector.load %arg4[%get3A_419, %get3A_420] : memref<4096x128xf32, #tpu.memory_space<vmem>>, vector<256x128xf32>
      %convert_element_type3A_422 = arith.truncf %get3A_421 : vector<256x128xf32> to vector<256x128xbf16>
      %get3A_423 = arith.constant 0 : index
      %get3A_424 = arith.constant 0 : index
      %get3A_425 = vector.load %arg15[%get3A_423, %get3A_424] : memref<128x128xbf16, #tpu.memory_space<vmem>>, vector<128x128xbf16>
      %dot_general3A_426 = arith.constant dense<0.000000e+00> : vector<256x128xf32>
      %dot_general3A_427 = tpu.matmul %convert_element_type3A_422, %get3A_425, %dot_general3A_426 {dimension_numbers = #tpu.dot_dimension_numbers<[1], [0], [0], [1], [0, 0, 1, 1], [], []>, transpose_lhs_hint = false} : vector<256x128xbf16>, vector<128x128xbf16>, vector<256x128xf32> -> vector<256x128xf32>
      %convert_element_type3A_428 = arith.truncf %dot_general3A_427 : vector<256x128xf32> to vector<256x128xbf16>
      %swap3A_429 = arith.constant 2816 : index
      %swap3A_430 = arith.constant 0 : index
      %swap3A_431 = vector.load %arg23[%swap3A_429, %swap3A_430] : memref<4096x128xbf16, #tpu.memory_space<vmem>>, vector<256x128xbf16>
      tpu.vector_store %arg23[%swap3A_429, %swap3A_430], %convert_element_type3A_428 {strides = array<i32>} : memref<4096x128xbf16, #tpu.memory_space<vmem>>, vector<256x128xbf16>,
      %get3A_432 = arith.constant 3072 : index
      %get3A_433 = arith.constant 0 : index
      %get3A_434 = vector.load %arg4[%get3A_432, %get3A_433] : memref<4096x128xf32, #tpu.memory_space<vmem>>, vector<256x128xf32>
      %convert_element_type3A_435 = arith.truncf %get3A_434 : vector<256x128xf32> to vector<256x128xbf16>
      %get3A_436 = arith.constant 0 : index
      %get3A_437 = arith.constant 0 : index
      %get3A_438 = vector.load %arg15[%get3A_436, %get3A_437] : memref<128x128xbf16, #tpu.memory_space<vmem>>, vector<128x128xbf16>
      %dot_general3A_439 = arith.constant dense<0.000000e+00> : vector<256x128xf32>
      %dot_general3A_440 = tpu.matmul %convert_element_type3A_435, %get3A_438, %dot_general3A_439 {dimension_numbers = #tpu.dot_dimension_numbers<[1], [0], [0], [1], [0, 0, 1, 1], [], []>, transpose_lhs_hint = false} : vector<256x128xbf16>, vector<128x128xbf16>, vector<256x128xf32> -> vector<256x128xf32>
      %convert_element_type3A_441 = arith.truncf %dot_general3A_440 : vector<256x128xf32> to vector<256x128xbf16>
      %swap3A_442 = arith.constant 3072 : index
      %swap3A_443 = arith.constant 0 : index
      %swap3A_444 = vector.load %arg23[%swap3A_442, %swap3A_443] : memref<4096x128xbf16, #tpu.memory_space<vmem>>, vector<256x128xbf16>
      tpu.vector_store %arg23[%swap3A_442, %swap3A_443], %convert_element_type3A_441 {strides = array<i32>} : memref<4096x128xbf16, #tpu.memory_space<vmem>>, vector<256x128xbf16>,
      %get3A_445 = arith.constant 3328 : index
      %get3A_446 = arith.constant 0 : index
      %get3A_447 = vector.load %arg4[%get3A_445, %get3A_446] : memref<4096x128xf32, #tpu.memory_space<vmem>>, vector<256x128xf32>
      %convert_element_type3A_448 = arith.truncf %get3A_447 : vector<256x128xf32> to vector<256x128xbf16>
      %get3A_449 = arith.constant 0 : index
      %get3A_450 = arith.constant 0 : index
      %get3A_451 = vector.load %arg15[%get3A_449, %get3A_450] : memref<128x128xbf16, #tpu.memory_space<vmem>>, vector<128x128xbf16>
      %dot_general3A_452 = arith.constant dense<0.000000e+00> : vector<256x128xf32>
      %dot_general3A_453 = tpu.matmul %convert_element_type3A_448, %get3A_451, %dot_general3A_452 {dimension_numbers = #tpu.dot_dimension_numbers<[1], [0], [0], [1], [0, 0, 1, 1], [], []>, transpose_lhs_hint = false} : vector<256x128xbf16>, vector<128x128xbf16>, vector<256x128xf32> -> vector<256x128xf32>
      %convert_element_type3A_454 = arith.truncf %dot_general3A_453 : vector<256x128xf32> to vector<256x128xbf16>
      %swap3A_455 = arith.constant 3328 : index
      %swap3A_456 = arith.constant 0 : index
      %swap3A_457 = vector.load %arg23[%swap3A_455, %swap3A_456] : memref<4096x128xbf16, #tpu.memory_space<vmem>>, vector<256x128xbf16>
      tpu.vector_store %arg23[%swap3A_455, %swap3A_456], %convert_element_type3A_454 {strides = array<i32>} : memref<4096x128xbf16, #tpu.memory_space<vmem>>, vector<256x128xbf16>,
      %get3A_458 = arith.constant 3584 : index
      %get3A_459 = arith.constant 0 : index
      %get3A_460 = vector.load %arg4[%get3A_458, %get3A_459] : memref<4096x128xf32, #tpu.memory_space<vmem>>, vector<256x128xf32>
      %convert_element_type3A_461 = arith.truncf %get3A_460 : vector<256x128xf32> to vector<256x128xbf16>
      %get3A_462 = arith.constant 0 : index
      %get3A_463 = arith.constant 0 : index
      %get3A_464 = vector.load %arg15[%get3A_462, %get3A_463] : memref<128x128xbf16, #tpu.memory_space<vmem>>, vector<128x128xbf16>
      %dot_general3A_465 = arith.constant dense<0.000000e+00> : vector<256x128xf32>
      %dot_general3A_466 = tpu.matmul %convert_element_type3A_461, %get3A_464, %dot_general3A_465 {dimension_numbers = #tpu.dot_dimension_numbers<[1], [0], [0], [1], [0, 0, 1, 1], [], []>, transpose_lhs_hint = false} : vector<256x128xbf16>, vector<128x128xbf16>, vector<256x128xf32> -> vector<256x128xf32>
      %convert_element_type3A_467 = arith.truncf %dot_general3A_466 : vector<256x128xf32> to vector<256x128xbf16>
      %swap3A_468 = arith.constant 3584 : index
      %swap3A_469 = arith.constant 0 : index
      %swap3A_470 = vector.load %arg23[%swap3A_468, %swap3A_469] : memref<4096x128xbf16, #tpu.memory_space<vmem>>, vector<256x128xbf16>
      tpu.vector_store %arg23[%swap3A_468, %swap3A_469], %convert_element_type3A_467 {strides = array<i32>} : memref<4096x128xbf16, #tpu.memory_space<vmem>>, vector<256x128xbf16>,
      %get3A_471 = arith.constant 3840 : index
      %get3A_472 = arith.constant 0 : index
      %get3A_473 = vector.load %arg4[%get3A_471, %get3A_472] : memref<4096x128xf32, #tpu.memory_space<vmem>>, vector<256x128xf32>
      %convert_element_type3A_474 = arith.truncf %get3A_473 : vector<256x128xf32> to vector<256x128xbf16>
      %get3A_475 = arith.constant 0 : index
      %get3A_476 = arith.constant 0 : index
      %get3A_477 = vector.load %arg15[%get3A_475, %get3A_476] : memref<128x128xbf16, #tpu.memory_space<vmem>>, vector<128x128xbf16>
      %dot_general3A_478 = arith.constant dense<0.000000e+00> : vector<256x128xf32>
      %dot_general3A_479 = tpu.matmul %convert_element_type3A_474, %get3A_477, %dot_general3A_478 {dimension_numbers = #tpu.dot_dimension_numbers<[1], [0], [0], [1], [0, 0, 1, 1], [], []>, transpose_lhs_hint = false} : vector<256x128xbf16>, vector<128x128xbf16>, vector<256x128xf32> -> vector<256x128xf32>
      %convert_element_type3A_480 = arith.truncf %dot_general3A_479 : vector<256x128xf32> to vector<256x128xbf16>
      %swap3A_481 = arith.constant 3840 : index
      %swap3A_482 = arith.constant 0 : index
      %swap3A_483 = vector.load %arg23[%swap3A_481, %swap3A_482] : memref<4096x128xbf16, #tpu.memory_space<vmem>>, vector<256x128xbf16>
      tpu.vector_store %arg23[%swap3A_481, %swap3A_482], %convert_element_type3A_480 {strides = array<i32>} : memref<4096x128xbf16, #tpu.memory_space<vmem>>, vector<256x128xbf16>,
    } else {
    }
    %get3A = arith.constant 0 : index
    %get3A_2 = arith.constant 0 : index
    %get3A_3 = arith.constant 0 : index
    %get3A_4 = vector.load %arg1[%get3A, %get3A_2, %get3A_3] : memref<1x2000x1xi32, #tpu.memory_space<vmem>>, vector<1x2000x1xi32>
    %get3A_5 = vector.shape_cast %get3A_4 : vector<1x2000x1xi32> to vector<2000x1xi32>
    %iota3A = tpu.iota {dimensions = array<i32: 1>} : vector<2000x256xi32>
    %eq3A_6 = vector.broadcast %get3A_5 : vector<2000x1xi32> to vector<2000x256xi32>
    %eq3A_7 = arith.cmpi eq, %eq3A_6, %iota3A : vector<2000x256xi32>
    %convert_element_type3A_8 = arith.extui %eq3A_7 : vector<2000x256xi1> to vector<2000x256xi32>
    %convert_element_type3A_9 = arith.sitofp %convert_element_type3A_8 : vector<2000x256xi32> to vector<2000x256xf32>
    %convert_element_type3A_10 = arith.truncf %convert_element_type3A_9 : vector<2000x256xf32> to vector<2000x256xbf16>
    %get3A_11 = arith.constant 0 : index
    %get3A_12 = arith.constant 0 : index
    %get3A_13 = vector.load %arg2[%get3A_11, %get3A_12] : memref<2000x128xf32, #tpu.memory_space<vmem>>, vector<2000x128xf32>
    %convert_element_type3A_14 = arith.truncf %get3A_13 : vector<2000x128xf32> to vector<2000x128xbf16>
    %get3A_15 = arith.constant 0 : index
    %get3A_16 = arith.constant 0 : index
    %get3A_17 = vector.load %arg7[%get3A_15, %get3A_16] : memref<128x128xbf16, #tpu.memory_space<vmem>>, vector<128x128xbf16>
    %dot_general3A = arith.constant dense<0.000000e+00> : vector<2000x128xf32>
    %dot_general3A_18 = tpu.matmul %convert_element_type3A_14, %get3A_17, %dot_general3A {dimension_numbers = #tpu.dot_dimension_numbers<[1], [0], [0], [1], [0, 0, 1, 1], [], []>, transpose_lhs_hint = false} : vector<2000x128xbf16>, vector<128x128xbf16>, vector<2000x128xf32> -> vector<2000x128xf32>
    %get3A_19 = arith.constant 0 : index
    %get3A_20 = arith.constant 0 : index
    %get3A_21 = vector.load %arg8[%get3A_19, %get3A_20] : memref<1x128xf32, #tpu.memory_space<vmem>>, vector<1x128xf32>
    %add3A = vector.broadcast %get3A_21 : vector<1x128xf32> to vector<2000x128xf32>
    %add3A_22 = arith.addf %dot_general3A_18, %add3A : vector<2000x128xf32>
    %convert_element_type3A_23 = arith.truncf %add3A_22 : vector<2000x128xf32> to vector<2000x128xbf16>
    %get3A_24 = arith.constant 0 : index
    %get3A_25 = arith.constant 0 : index
    %get3A_26 = vector.load %arg21[%get3A_24, %get3A_25] : memref<256x128xf32, #tpu.memory_space<vmem>>, vector<256x128xf32>
    %dot_general3A_27 = arith.constant dense<0.000000e+00> : vector<256x128xf32>
    %dot_general3A_28 = tpu.matmul %convert_element_type3A_10, %convert_element_type3A_23, %dot_general3A_27 {dimension_numbers = #tpu.dot_dimension_numbers<[0], [0], [1], [1], [0, 1, 1, 1], [], []>, transpose_lhs_hint = false} : vector<2000x256xbf16>, vector<2000x128xbf16>, vector<256x128xf32> -> vector<256x128xf32>
    %add3A_29 = arith.addf %get3A_26, %dot_general3A_28 : vector<256x128xf32>
    %swap3A = arith.constant 0 : index
    %swap3A_30 = arith.constant 0 : index
    %swap3A_31 = vector.load %arg21[%swap3A, %swap3A_30] : memref<256x128xf32, #tpu.memory_space<vmem>>, vector<256x128xf32>
    tpu.vector_store %arg21[%swap3A, %swap3A_30], %add3A_29 {strides = array<i32>} : memref<256x128xf32, #tpu.memory_space<vmem>>, vector<256x128xf32>,
    %get3A_32 = arith.constant 0 : index
    %get3A_33 = arith.constant 0 : index
    %get3A_34 = vector.load %arg9[%get3A_32, %get3A_33] : memref<128x4xbf16, #tpu.memory_space<vmem>>, vector<128x4xbf16>
    %dot_general3A_35 = arith.constant dense<0.000000e+00> : vector<2000x4xf32>
    %dot_general3A_36 = tpu.matmul %convert_element_type3A_14, %get3A_34, %dot_general3A_35 {dimension_numbers = #tpu.dot_dimension_numbers<[1], [0], [0], [1], [0, 0, 1, 1], [], []>, transpose_lhs_hint = false} : vector<2000x128xbf16>, vector<128x4xbf16>, vector<2000x4xf32> -> vector<2000x4xf32>
    %get3A_37 = arith.constant 0 : index
    %get3A_38 = arith.constant 0 : index
    %get3A_39 = vector.load %arg10[%get3A_37, %get3A_38] : memref<1x4xf32, #tpu.memory_space<vmem>>, vector<1x4xf32>
    %add3A_40 = vector.broadcast %get3A_39 : vector<1x4xf32> to vector<2000x4xf32>
    %add3A_41 = arith.addf %dot_general3A_36, %add3A_40 : vector<2000x4xf32>
    %get3A_42 = arith.constant 0 : index
    %get3A_43 = arith.constant 0 : index
    %get3A_44 = vector.load %arg17[%get3A_42, %get3A_43] : memref<4x64xf32, #tpu.memory_space<vmem>>, vector<4x64xf32>
    %dot_general3A_45 = arith.constant dense<0.000000e+00> : vector<2000x64xf32>
    %dot_general3A_46 = tpu.matmul %add3A_41, %get3A_44, %dot_general3A_45 {dimension_numbers = #tpu.dot_dimension_numbers<[1], [0], [0], [1], [0, 0, 1, 1], [], []>, transpose_lhs_hint = false} : vector<2000x4xf32>, vector<4x64xf32>, vector<2000x64xf32> -> vector<2000x64xf32>
    %get3A_47 = arith.constant 0 : index
    %get3A_48 = arith.constant 0 : index
    %get3A_49 = vector.load %arg22[%get3A_47, %get3A_48] : memref<256x128xf32, #tpu.memory_space<vmem>>, vector<256x128xf32>
    %dot_general3A_50 = arith.constant dense<0.000000e+00> : vector<2000x128xf32>
    %dot_general3A_51 = tpu.matmul %convert_element_type3A_10, %get3A_49, %dot_general3A_50 {dimension_numbers = #tpu.dot_dimension_numbers<[1], [0], [0], [1], [0, 0, 1, 1], [], []>, transpose_lhs_hint = false} : vector<2000x256xbf16>, vector<256x128xf32>, vector<2000x128xf32> -> vector<2000x128xf32>
    %slice3A = vector.extract_strided_slice %dot_general3A_51 {offsets = [0, 0], sizes = [2000, 64], strides = [1, 1]} : vector<2000x128xf32> to vector<2000x64xf32>
    %add3A_52 = arith.addf %slice3A, %dot_general3A_46 : vector<2000x64xf32>
    %ge3A = arith.constant 0.000000e+00 : f32
    %ge3A_53 = vector.broadcast %ge3A : f32 to vector<2000x64xf32>
    %ge3A_54 = arith.cmpf oge, %add3A_52, %ge3A_53 : vector<2000x64xf32>
    %mul3A = arith.constant 0.00999999977 : f32
    %mul3A_55 = vector.broadcast %mul3A : f32 to vector<2000x64xf32>
    %mul3A_56 = arith.mulf %mul3A_55, %add3A_52 : vector<2000x64xf32>
    %select_n3A = arith.select %ge3A_54, %add3A_52, %mul3A_56 : vector<2000x64xi1>, vector<2000x64xf32>
    %slice3A_57 = vector.extract_strided_slice %dot_general3A_51 {offsets = [0, 64], sizes = [2000, 64], strides = [1, 1]} : vector<2000x128xf32> to vector<2000x64xf32>
    %add3A_58 = arith.addf %select_n3A, %slice3A_57 : vector<2000x64xf32>
    %exp3A = math.exp %add3A_58 : vector<2000x64xf32>
    %get3A_59 = arith.constant 0 : index
    %get3A_60 = arith.constant 0 : index
    %get3A_61 = vector.load %arg18[%get3A_59, %get3A_60] : memref<64x4xf32, #tpu.memory_space<vmem>>, vector<64x4xf32>
    %dot_general3A_62 = arith.constant dense<0.000000e+00> : vector<2000x4xf32>
    %dot_general3A_63 = tpu.matmul %exp3A, %get3A_61, %dot_general3A_62 {dimension_numbers = #tpu.dot_dimension_numbers<[1], [0], [0], [1], [0, 0, 1, 1], [], []>, transpose_lhs_hint = false} : vector<2000x64xf32>, vector<64x4xf32>, vector<2000x4xf32> -> vector<2000x4xf32>
    %div3A = arith.constant 1.000000e+00 : f32
    %div3A_64 = vector.broadcast %div3A : f32 to vector<2000x4xf32>
    %div3A_65 = arith.divf %div3A_64, %dot_general3A_63 : vector<2000x4xf32>
    %get3A_66 = arith.constant 0 : index
    %get3A_67 = arith.constant 0 : index
    %get3A_68 = vector.load %arg17[%get3A_66, %get3A_67] : memref<4x64xf32, #tpu.memory_space<vmem>>, vector<4x64xf32>
    %dot_general3A_69 = arith.constant dense<0.000000e+00> : vector<2000x64xf32>
    %dot_general3A_70 = tpu.matmul %div3A_65, %get3A_68, %dot_general3A_69 {dimension_numbers = #tpu.dot_dimension_numbers<[1], [0], [0], [1], [0, 0, 1, 1], [], []>, transpose_lhs_hint = false} : vector<2000x4xf32>, vector<4x64xf32>, vector<2000x64xf32> -> vector<2000x64xf32>
    %mul3A_71 = arith.mulf %exp3A, %dot_general3A_70 : vector<2000x64xf32>
    %get3A_72 = arith.constant 0 : index
    %get3A_73 = arith.constant 0 : index
    %get3A_74 = vector.load %arg13[%get3A_72, %get3A_73] : memref<64x16xf32, #tpu.memory_space<vmem>>, vector<64x16xf32>
    %dot_general3A_75 = arith.constant dense<0.000000e+00> : vector<2000x16xf32>
    %dot_general3A_76 = tpu.matmul %mul3A_71, %get3A_74, %dot_general3A_75 {dimension_numbers = #tpu.dot_dimension_numbers<[1], [0], [0], [1], [0, 0, 1, 1], [], []>, transpose_lhs_hint = false} : vector<2000x64xf32>, vector<64x16xf32>, vector<2000x16xf32> -> vector<2000x16xf32>
    %get3A_77 = arith.constant 0 : index
    %get3A_78 = arith.constant 0 : index
    %get3A_79 = vector.load %arg14[%get3A_77, %get3A_78] : memref<1x1xf32, #tpu.memory_space<vmem>>, vector<1x1xf32>
    %get3A_80 = vector.extract %get3A_79[0, 0] : f32 from vector<1x1xf32>
    %add3A_81 = vector.broadcast %get3A_80 : f32 to vector<2000x16xf32>
    %add3A_82 = arith.addf %dot_general3A_76, %add3A_81 : vector<2000x16xf32>
    %exp3A_83 = math.exp %add3A_82 : vector<2000x16xf32>
    %reduce_sum3A = arith.constant dense<0.000000e+00> : vector<2000xf32>
    %reduce_sum3A_84 = vector.multi_reduction <add>, %exp3A_83, %reduce_sum3A [1] : vector<2000x16xf32> to vector<2000xf32>
    %broadcast_in_dim3A = vector.shape_cast %reduce_sum3A_84 : vector<2000xf32> to vector<2000x1xf32>
    %div3A_85 = vector.broadcast %broadcast_in_dim3A : vector<2000x1xf32> to vector<2000x16xf32>
    %div3A_86 = arith.divf %exp3A_83, %div3A_85 : vector<2000x16xf32>
    %convert_element_type3A_87 = arith.truncf %div3A_86 : vector<2000x16xf32> to vector<2000x16xbf16>
    %broadcast_in_dim3A_88 = arith.constant 0.000000e+00 : f32
    %broadcast_in_dim3A_89 = vector.broadcast %broadcast_in_dim3A_88 : f32 to vector<2000x128xf32>
    %slice3A_90 = vector.extract_strided_slice %convert_element_type3A_87 {offsets = [0, 0], sizes = [2000, 1], strides = [1, 1]} : vector<2000x16xbf16> to vector<2000x1xbf16>
    %mul3A_91 = vector.broadcast %slice3A_90 : vector<2000x1xbf16> to vector<2000x256xbf16>
    %mul3A_92 = arith.mulf %mul3A_91, %convert_element_type3A_10 : vector<2000x256xbf16>
    %get3A_93 = arith.constant 0 : index
    %get3A_94 = arith.constant 0 : index
    %get3A_95 = vector.load %arg23[%get3A_93, %get3A_94] : memref<4096x128xbf16, #tpu.memory_space<vmem>>, vector<256x128xbf16>
    %dot_general3A_96 = arith.constant dense<0.000000e+00> : vector<2000x128xf32>
    %dot_general3A_97 = tpu.matmul %mul3A_92, %get3A_95, %dot_general3A_96 {dimension_numbers = #tpu.dot_dimension_numbers<[1], [0], [0], [1], [0, 0, 1, 1], [], []>, transpose_lhs_hint = false} : vector<2000x256xbf16>, vector<256x128xbf16>, vector<2000x128xf32> -> vector<2000x128xf32>
    %add3A_98 = arith.addf %broadcast_in_dim3A_89, %dot_general3A_97 : vector<2000x128xf32>
    %slice3A_99 = vector.extract_strided_slice %convert_element_type3A_87 {offsets = [0, 1], sizes = [2000, 1], strides = [1, 1]} : vector<2000x16xbf16> to vector<2000x1xbf16>
    %mul3A_100 = vector.broadcast %slice3A_99 : vector<2000x1xbf16> to vector<2000x256xbf16>
    %mul3A_101 = arith.mulf %mul3A_100, %convert_element_type3A_10 : vector<2000x256xbf16>
    %get3A_102 = arith.constant 256 : index
    %get3A_103 = arith.constant 0 : index
    %get3A_104 = vector.load %arg23[%get3A_102, %get3A_103] : memref<4096x128xbf16, #tpu.memory_space<vmem>>, vector<256x128xbf16>
    %dot_general3A_105 = arith.constant dense<0.000000e+00> : vector<2000x128xf32>
    %dot_general3A_106 = tpu.matmul %mul3A_101, %get3A_104, %dot_general3A_105 {dimension_numbers = #tpu.dot_dimension_numbers<[1], [0], [0], [1], [0, 0, 1, 1], [], []>, transpose_lhs_hint = false} : vector<2000x256xbf16>, vector<256x128xbf16>, vector<2000x128xf32> -> vector<2000x128xf32>
    %add3A_107 = arith.addf %add3A_98, %dot_general3A_106 : vector<2000x128xf32>
    %slice3A_108 = vector.extract_strided_slice %convert_element_type3A_87 {offsets = [0, 2], sizes = [2000, 1], strides = [1, 1]} : vector<2000x16xbf16> to vector<2000x1xbf16>
    %mul3A_109 = vector.broadcast %slice3A_108 : vector<2000x1xbf16> to vector<2000x256xbf16>
    %mul3A_110 = arith.mulf %mul3A_109, %convert_element_type3A_10 : vector<2000x256xbf16>
    %get3A_111 = arith.constant 512 : index
    %get3A_112 = arith.constant 0 : index
    %get3A_113 = vector.load %arg23[%get3A_111, %get3A_112] : memref<4096x128xbf16, #tpu.memory_space<vmem>>, vector<256x128xbf16>
    %dot_general3A_114 = arith.constant dense<0.000000e+00> : vector<2000x128xf32>
    %dot_general3A_115 = tpu.matmul %mul3A_110, %get3A_113, %dot_general3A_114 {dimension_numbers = #tpu.dot_dimension_numbers<[1], [0], [0], [1], [0, 0, 1, 1], [], []>, transpose_lhs_hint = false} : vector<2000x256xbf16>, vector<256x128xbf16>, vector<2000x128xf32> -> vector<2000x128xf32>
    %add3A_116 = arith.addf %add3A_107, %dot_general3A_115 : vector<2000x128xf32>
    %slice3A_117 = vector.extract_strided_slice %convert_element_type3A_87 {offsets = [0, 3], sizes = [2000, 1], strides = [1, 1]} : vector<2000x16xbf16> to vector<2000x1xbf16>
    %mul3A_118 = vector.broadcast %slice3A_117 : vector<2000x1xbf16> to vector<2000x256xbf16>
    %mul3A_119 = arith.mulf %mul3A_118, %convert_element_type3A_10 : vector<2000x256xbf16>
    %get3A_120 = arith.constant 768 : index
    %get3A_121 = arith.constant 0 : index
    %get3A_122 = vector.load %arg23[%get3A_120, %get3A_121] : memref<4096x128xbf16, #tpu.memory_space<vmem>>, vector<256x128xbf16>
    %dot_general3A_123 = arith.constant dense<0.000000e+00> : vector<2000x128xf32>
    %dot_general3A_124 = tpu.matmul %mul3A_119, %get3A_122, %dot_general3A_123 {dimension_numbers = #tpu.dot_dimension_numbers<[1], [0], [0], [1], [0, 0, 1, 1], [], []>, transpose_lhs_hint = false} : vector<2000x256xbf16>, vector<256x128xbf16>, vector<2000x128xf32> -> vector<2000x128xf32>
    %add3A_125 = arith.addf %add3A_116, %dot_general3A_124 : vector<2000x128xf32>
    %slice3A_126 = vector.extract_strided_slice %convert_element_type3A_87 {offsets = [0, 4], sizes = [2000, 1], strides = [1, 1]} : vector<2000x16xbf16> to vector<2000x1xbf16>
    %mul3A_127 = vector.broadcast %slice3A_126 : vector<2000x1xbf16> to vector<2000x256xbf16>
    %mul3A_128 = arith.mulf %mul3A_127, %convert_element_type3A_10 : vector<2000x256xbf16>
    %get3A_129 = arith.constant 1024 : index
    %get3A_130 = arith.constant 0 : index
    %get3A_131 = vector.load %arg23[%get3A_129, %get3A_130] : memref<4096x128xbf16, #tpu.memory_space<vmem>>, vector<256x128xbf16>
    %dot_general3A_132 = arith.constant dense<0.000000e+00> : vector<2000x128xf32>
    %dot_general3A_133 = tpu.matmul %mul3A_128, %get3A_131, %dot_general3A_132 {dimension_numbers = #tpu.dot_dimension_numbers<[1], [0], [0], [1], [0, 0, 1, 1], [], []>, transpose_lhs_hint = false} : vector<2000x256xbf16>, vector<256x128xbf16>, vector<2000x128xf32> -> vector<2000x128xf32>
    %add3A_134 = arith.addf %add3A_125, %dot_general3A_133 : vector<2000x128xf32>
    %slice3A_135 = vector.extract_strided_slice %convert_element_type3A_87 {offsets = [0, 5], sizes = [2000, 1], strides = [1, 1]} : vector<2000x16xbf16> to vector<2000x1xbf16>
    %mul3A_136 = vector.broadcast %slice3A_135 : vector<2000x1xbf16> to vector<2000x256xbf16>
    %mul3A_137 = arith.mulf %mul3A_136, %convert_element_type3A_10 : vector<2000x256xbf16>
    %get3A_138 = arith.constant 1280 : index
    %get3A_139 = arith.constant 0 : index
    %get3A_140 = vector.load %arg23[%get3A_138, %get3A_139] : memref<4096x128xbf16, #tpu.memory_space<vmem>>, vector<256x128xbf16>
    %dot_general3A_141 = arith.constant dense<0.000000e+00> : vector<2000x128xf32>
    %dot_general3A_142 = tpu.matmul %mul3A_137, %get3A_140, %dot_general3A_141 {dimension_numbers = #tpu.dot_dimension_numbers<[1], [0], [0], [1], [0, 0, 1, 1], [], []>, transpose_lhs_hint = false} : vector<2000x256xbf16>, vector<256x128xbf16>, vector<2000x128xf32> -> vector<2000x128xf32>
    %add3A_143 = arith.addf %add3A_134, %dot_general3A_142 : vector<2000x128xf32>
    %slice3A_144 = vector.extract_strided_slice %convert_element_type3A_87 {offsets = [0, 6], sizes = [2000, 1], strides = [1, 1]} : vector<2000x16xbf16> to vector<2000x1xbf16>
    %mul3A_145 = vector.broadcast %slice3A_144 : vector<2000x1xbf16> to vector<2000x256xbf16>
    %mul3A_146 = arith.mulf %mul3A_145, %convert_element_type3A_10 : vector<2000x256xbf16>
    %get3A_147 = arith.constant 1536 : index
    %get3A_148 = arith.constant 0 : index
    %get3A_149 = vector.load %arg23[%get3A_147, %get3A_148] : memref<4096x128xbf16, #tpu.memory_space<vmem>>, vector<256x128xbf16>
    %dot_general3A_150 = arith.constant dense<0.000000e+00> : vector<2000x128xf32>
    %dot_general3A_151 = tpu.matmul %mul3A_146, %get3A_149, %dot_general3A_150 {dimension_numbers = #tpu.dot_dimension_numbers<[1], [0], [0], [1], [0, 0, 1, 1], [], []>, transpose_lhs_hint = false} : vector<2000x256xbf16>, vector<256x128xbf16>, vector<2000x128xf32> -> vector<2000x128xf32>
    %add3A_152 = arith.addf %add3A_143, %dot_general3A_151 : vector<2000x128xf32>
    %slice3A_153 = vector.extract_strided_slice %convert_element_type3A_87 {offsets = [0, 7], sizes = [2000, 1], strides = [1, 1]} : vector<2000x16xbf16> to vector<2000x1xbf16>
    %mul3A_154 = vector.broadcast %slice3A_153 : vector<2000x1xbf16> to vector<2000x256xbf16>
    %mul3A_155 = arith.mulf %mul3A_154, %convert_element_type3A_10 : vector<2000x256xbf16>
    %get3A_156 = arith.constant 1792 : index
    %get3A_157 = arith.constant 0 : index
    %get3A_158 = vector.load %arg23[%get3A_156, %get3A_157] : memref<4096x128xbf16, #tpu.memory_space<vmem>>, vector<256x128xbf16>
    %dot_general3A_159 = arith.constant dense<0.000000e+00> : vector<2000x128xf32>
    %dot_general3A_160 = tpu.matmul %mul3A_155, %get3A_158, %dot_general3A_159 {dimension_numbers = #tpu.dot_dimension_numbers<[1], [0], [0], [1], [0, 0, 1, 1], [], []>, transpose_lhs_hint = false} : vector<2000x256xbf16>, vector<256x128xbf16>, vector<2000x128xf32> -> vector<2000x128xf32>
    %add3A_161 = arith.addf %add3A_152, %dot_general3A_160 : vector<2000x128xf32>
    %slice3A_162 = vector.extract_strided_slice %convert_element_type3A_87 {offsets = [0, 8], sizes = [2000, 1], strides = [1, 1]} : vector<2000x16xbf16> to vector<2000x1xbf16>
    %mul3A_163 = vector.broadcast %slice3A_162 : vector<2000x1xbf16> to vector<2000x256xbf16>
    %mul3A_164 = arith.mulf %mul3A_163, %convert_element_type3A_10 : vector<2000x256xbf16>
    %get3A_165 = arith.constant 2048 : index
    %get3A_166 = arith.constant 0 : index
    %get3A_167 = vector.load %arg23[%get3A_165, %get3A_166] : memref<4096x128xbf16, #tpu.memory_space<vmem>>, vector<256x128xbf16>
    %dot_general3A_168 = arith.constant dense<0.000000e+00> : vector<2000x128xf32>
    %dot_general3A_169 = tpu.matmul %mul3A_164, %get3A_167, %dot_general3A_168 {dimension_numbers = #tpu.dot_dimension_numbers<[1], [0], [0], [1], [0, 0, 1, 1], [], []>, transpose_lhs_hint = false} : vector<2000x256xbf16>, vector<256x128xbf16>, vector<2000x128xf32> -> vector<2000x128xf32>
    %add3A_170 = arith.addf %add3A_161, %dot_general3A_169 : vector<2000x128xf32>
    %slice3A_171 = vector.extract_strided_slice %convert_element_type3A_87 {offsets = [0, 9], sizes = [2000, 1], strides = [1, 1]} : vector<2000x16xbf16> to vector<2000x1xbf16>
    %mul3A_172 = vector.broadcast %slice3A_171 : vector<2000x1xbf16> to vector<2000x256xbf16>
    %mul3A_173 = arith.mulf %mul3A_172, %convert_element_type3A_10 : vector<2000x256xbf16>
    %get3A_174 = arith.constant 2304 : index
    %get3A_175 = arith.constant 0 : index
    %get3A_176 = vector.load %arg23[%get3A_174, %get3A_175] : memref<4096x128xbf16, #tpu.memory_space<vmem>>, vector<256x128xbf16>
    %dot_general3A_177 = arith.constant dense<0.000000e+00> : vector<2000x128xf32>
    %dot_general3A_178 = tpu.matmul %mul3A_173, %get3A_176, %dot_general3A_177 {dimension_numbers = #tpu.dot_dimension_numbers<[1], [0], [0], [1], [0, 0, 1, 1], [], []>, transpose_lhs_hint = false} : vector<2000x256xbf16>, vector<256x128xbf16>, vector<2000x128xf32> -> vector<2000x128xf32>
    %add3A_179 = arith.addf %add3A_170, %dot_general3A_178 : vector<2000x128xf32>
    %slice3A_180 = vector.extract_strided_slice %convert_element_type3A_87 {offsets = [0, 10], sizes = [2000, 1], strides = [1, 1]} : vector<2000x16xbf16> to vector<2000x1xbf16>
    %mul3A_181 = vector.broadcast %slice3A_180 : vector<2000x1xbf16> to vector<2000x256xbf16>
    %mul3A_182 = arith.mulf %mul3A_181, %convert_element_type3A_10 : vector<2000x256xbf16>
    %get3A_183 = arith.constant 2560 : index
    %get3A_184 = arith.constant 0 : index
    %get3A_185 = vector.load %arg23[%get3A_183, %get3A_184] : memref<4096x128xbf16, #tpu.memory_space<vmem>>, vector<256x128xbf16>
    %dot_general3A_186 = arith.constant dense<0.000000e+00> : vector<2000x128xf32>
    %dot_general3A_187 = tpu.matmul %mul3A_182, %get3A_185, %dot_general3A_186 {dimension_numbers = #tpu.dot_dimension_numbers<[1], [0], [0], [1], [0, 0, 1, 1], [], []>, transpose_lhs_hint = false} : vector<2000x256xbf16>, vector<256x128xbf16>, vector<2000x128xf32> -> vector<2000x128xf32>
    %add3A_188 = arith.addf %add3A_179, %dot_general3A_187 : vector<2000x128xf32>
    %slice3A_189 = vector.extract_strided_slice %convert_element_type3A_87 {offsets = [0, 11], sizes = [2000, 1], strides = [1, 1]} : vector<2000x16xbf16> to vector<2000x1xbf16>
    %mul3A_190 = vector.broadcast %slice3A_189 : vector<2000x1xbf16> to vector<2000x256xbf16>
    %mul3A_191 = arith.mulf %mul3A_190, %convert_element_type3A_10 : vector<2000x256xbf16>
    %get3A_192 = arith.constant 2816 : index
    %get3A_193 = arith.constant 0 : index
    %get3A_194 = vector.load %arg23[%get3A_192, %get3A_193] : memref<4096x128xbf16, #tpu.memory_space<vmem>>, vector<256x128xbf16>
    %dot_general3A_195 = arith.constant dense<0.000000e+00> : vector<2000x128xf32>
    %dot_general3A_196 = tpu.matmul %mul3A_191, %get3A_194, %dot_general3A_195 {dimension_numbers = #tpu.dot_dimension_numbers<[1], [0], [0], [1], [0, 0, 1, 1], [], []>, transpose_lhs_hint = false} : vector<2000x256xbf16>, vector<256x128xbf16>, vector<2000x128xf32> -> vector<2000x128xf32>
    %add3A_197 = arith.addf %add3A_188, %dot_general3A_196 : vector<2000x128xf32>
    %slice3A_198 = vector.extract_strided_slice %convert_element_type3A_87 {offsets = [0, 12], sizes = [2000, 1], strides = [1, 1]} : vector<2000x16xbf16> to vector<2000x1xbf16>
    %mul3A_199 = vector.broadcast %slice3A_198 : vector<2000x1xbf16> to vector<2000x256xbf16>
    %mul3A_200 = arith.mulf %mul3A_199, %convert_element_type3A_10 : vector<2000x256xbf16>
    %get3A_201 = arith.constant 3072 : index
    %get3A_202 = arith.constant 0 : index
    %get3A_203 = vector.load %arg23[%get3A_201, %get3A_202] : memref<4096x128xbf16, #tpu.memory_space<vmem>>, vector<256x128xbf16>
    %dot_general3A_204 = arith.constant dense<0.000000e+00> : vector<2000x128xf32>
    %dot_general3A_205 = tpu.matmul %mul3A_200, %get3A_203, %dot_general3A_204 {dimension_numbers = #tpu.dot_dimension_numbers<[1], [0], [0], [1], [0, 0, 1, 1], [], []>, transpose_lhs_hint = false} : vector<2000x256xbf16>, vector<256x128xbf16>, vector<2000x128xf32> -> vector<2000x128xf32>
    %add3A_206 = arith.addf %add3A_197, %dot_general3A_205 : vector<2000x128xf32>
    %slice3A_207 = vector.extract_strided_slice %convert_element_type3A_87 {offsets = [0, 13], sizes = [2000, 1], strides = [1, 1]} : vector<2000x16xbf16> to vector<2000x1xbf16>
    %mul3A_208 = vector.broadcast %slice3A_207 : vector<2000x1xbf16> to vector<2000x256xbf16>
    %mul3A_209 = arith.mulf %mul3A_208, %convert_element_type3A_10 : vector<2000x256xbf16>
    %get3A_210 = arith.constant 3328 : index
    %get3A_211 = arith.constant 0 : index
    %get3A_212 = vector.load %arg23[%get3A_210, %get3A_211] : memref<4096x128xbf16, #tpu.memory_space<vmem>>, vector<256x128xbf16>
    %dot_general3A_213 = arith.constant dense<0.000000e+00> : vector<2000x128xf32>
    %dot_general3A_214 = tpu.matmul %mul3A_209, %get3A_212, %dot_general3A_213 {dimension_numbers = #tpu.dot_dimension_numbers<[1], [0], [0], [1], [0, 0, 1, 1], [], []>, transpose_lhs_hint = false} : vector<2000x256xbf16>, vector<256x128xbf16>, vector<2000x128xf32> -> vector<2000x128xf32>
    %add3A_215 = arith.addf %add3A_206, %dot_general3A_214 : vector<2000x128xf32>
    %slice3A_216 = vector.extract_strided_slice %convert_element_type3A_87 {offsets = [0, 14], sizes = [2000, 1], strides = [1, 1]} : vector<2000x16xbf16> to vector<2000x1xbf16>
    %mul3A_217 = vector.broadcast %slice3A_216 : vector<2000x1xbf16> to vector<2000x256xbf16>
    %mul3A_218 = arith.mulf %mul3A_217, %convert_element_type3A_10 : vector<2000x256xbf16>
    %get3A_219 = arith.constant 3584 : index
    %get3A_220 = arith.constant 0 : index
    %get3A_221 = vector.load %arg23[%get3A_219, %get3A_220] : memref<4096x128xbf16, #tpu.memory_space<vmem>>, vector<256x128xbf16>
    %dot_general3A_222 = arith.constant dense<0.000000e+00> : vector<2000x128xf32>
    %dot_general3A_223 = tpu.matmul %mul3A_218, %get3A_221, %dot_general3A_222 {dimension_numbers = #tpu.dot_dimension_numbers<[1], [0], [0], [1], [0, 0, 1, 1], [], []>, transpose_lhs_hint = false} : vector<2000x256xbf16>, vector<256x128xbf16>, vector<2000x128xf32> -> vector<2000x128xf32>
    %add3A_224 = arith.addf %add3A_215, %dot_general3A_223 : vector<2000x128xf32>
    %slice3A_225 = vector.extract_strided_slice %convert_element_type3A_87 {offsets = [0, 15], sizes = [2000, 1], strides = [1, 1]} : vector<2000x16xbf16> to vector<2000x1xbf16>
    %mul3A_226 = vector.broadcast %slice3A_225 : vector<2000x1xbf16> to vector<2000x256xbf16>
    %mul3A_227 = arith.mulf %mul3A_226, %convert_element_type3A_10 : vector<2000x256xbf16>
    %get3A_228 = arith.constant 3840 : index
    %get3A_229 = arith.constant 0 : index
    %get3A_230 = vector.load %arg23[%get3A_228, %get3A_229] : memref<4096x128xbf16, #tpu.memory_space<vmem>>, vector<256x128xbf16>
    %dot_general3A_231 = arith.constant dense<0.000000e+00> : vector<2000x128xf32>
    %dot_general3A_232 = tpu.matmul %mul3A_227, %get3A_230, %dot_general3A_231 {dimension_numbers = #tpu.dot_dimension_numbers<[1], [0], [0], [1], [0, 0, 1, 1], [], []>, transpose_lhs_hint = false} : vector<2000x256xbf16>, vector<256x128xbf16>, vector<2000x128xf32> -> vector<2000x128xf32>
    %add3A_233 = arith.addf %add3A_224, %dot_general3A_232 : vector<2000x128xf32>
    %get3A_234 = arith.constant 0 : index
    %get3A_235 = arith.constant 0 : index
    %get3A_236 = vector.load %arg16[%get3A_234, %get3A_235] : memref<1x128xf32, #tpu.memory_space<vmem>>, vector<1x128xf32>
    %add3A_237 = vector.broadcast %get3A_236 : vector<1x128xf32> to vector<2000x128xf32>
    %add3A_238 = arith.addf %add3A_233, %add3A_237 : vector<2000x128xf32>
    %swap3A_239 = arith.constant 0 : index
    %swap3A_240 = arith.constant 0 : index
    %swap3A_241 = vector.load %arg19[%swap3A_239, %swap3A_240] : memref<2000x128xf32, #tpu.memory_space<vmem>>, vector<2000x128xf32>
    tpu.vector_store %arg19[%swap3A_239, %swap3A_240], %add3A_238 {strides = array<i32>} : memref<2000x128xf32, #tpu.memory_space<vmem>>, vector<2000x128xf32>,
    %eq3A_242 = arith.constant 24 : i32
    %eq3A_243 = arith.cmpi eq, %arg0, %eq3A_242 : i32
    %convert_element_type3A_244 = arith.extui %eq3A_243 : i1 to i32
    %cond3A_245 = arith.constant 0 : i32
    %cond3A_246 = arith.cmpi ne, %convert_element_type3A_244, %cond3A_245 : i32
    scf.if %cond3A_246 {
      %get3A_247 = arith.constant 0 : index
      %get3A_248 = arith.constant 0 : index
      %get3A_249 = vector.load %arg21[%get3A_247, %get3A_248] : memref<256x128xf32, #tpu.memory_space<vmem>>, vector<256x128xf32>
      %tanh3A = math.tanh %get3A_249 : vector<256x128xf32>
      %get3A_250 = arith.constant 0 : index
      %get3A_251 = arith.constant 0 : index
      %get3A_252 = vector.load %arg5[%get3A_250, %get3A_251] : memref<256x16xf32, #tpu.memory_space<vmem>>, vector<256x16xf32>
      %get3A_253 = arith.constant 0 : index
      %get3A_254 = arith.constant 0 : index
      %get3A_255 = vector.load %arg3[%get3A_253, %get3A_254] : memref<256x2048xf32, #tpu.memory_space<vmem>>, vector<256x128xf32>
      %slice3A_256 = vector.extract_strided_slice %get3A_252 {offsets = [0, 0], sizes = [256, 1], strides = [1, 1]} : vector<256x16xf32> to vector<256x1xf32>
      %mul3A_257 = vector.broadcast %slice3A_256 : vector<256x1xf32> to vector<256x128xf32>
      %mul3A_258 = arith.mulf %tanh3A, %mul3A_257 : vector<256x128xf32>
      %add3A_259 = arith.addf %get3A_255, %mul3A_258 : vector<256x128xf32>
      %swap3A_260 = arith.constant 0 : index
      %swap3A_261 = arith.constant 0 : index
      %swap3A_262 = vector.load %arg20[%swap3A_260, %swap3A_261] : memref<256x2048xf32, #tpu.memory_space<vmem>>, vector<256x128xf32>
      tpu.vector_store %arg20[%swap3A_260, %swap3A_261], %add3A_259 {strides = array<i32>} : memref<256x2048xf32, #tpu.memory_space<vmem>>, vector<256x128xf32>,
      %get3A_263 = arith.constant 0 : index
      %get3A_264 = arith.constant 128 : index
      %get3A_265 = vector.load %arg3[%get3A_263, %get3A_264] : memref<256x2048xf32, #tpu.memory_space<vmem>>, vector<256x128xf32>
      %slice3A_266 = vector.extract_strided_slice %get3A_252 {offsets = [0, 1], sizes = [256, 1], strides = [1, 1]} : vector<256x16xf32> to vector<256x1xf32>
      %mul3A_267 = vector.broadcast %slice3A_266 : vector<256x1xf32> to vector<256x128xf32>
      %mul3A_268 = arith.mulf %tanh3A, %mul3A_267 : vector<256x128xf32>
      %add3A_269 = arith.addf %get3A_265, %mul3A_268 : vector<256x128xf32>
      %swap3A_270 = arith.constant 0 : index
      %swap3A_271 = arith.constant 128 : index
      %swap3A_272 = vector.load %arg20[%swap3A_270, %swap3A_271] : memref<256x2048xf32, #tpu.memory_space<vmem>>, vector<256x128xf32>
      tpu.vector_store %arg20[%swap3A_270, %swap3A_271], %add3A_269 {strides = array<i32>} : memref<256x2048xf32, #tpu.memory_space<vmem>>, vector<256x128xf32>,
      %get3A_273 = arith.constant 0 : index
      %get3A_274 = arith.constant 256 : index
      %get3A_275 = vector.load %arg3[%get3A_273, %get3A_274] : memref<256x2048xf32, #tpu.memory_space<vmem>>, vector<256x128xf32>
      %slice3A_276 = vector.extract_strided_slice %get3A_252 {offsets = [0, 2], sizes = [256, 1], strides = [1, 1]} : vector<256x16xf32> to vector<256x1xf32>
      %mul3A_277 = vector.broadcast %slice3A_276 : vector<256x1xf32> to vector<256x128xf32>
      %mul3A_278 = arith.mulf %tanh3A, %mul3A_277 : vector<256x128xf32>
      %add3A_279 = arith.addf %get3A_275, %mul3A_278 : vector<256x128xf32>
      %swap3A_280 = arith.constant 0 : index
      %swap3A_281 = arith.constant 256 : index
      %swap3A_282 = vector.load %arg20[%swap3A_280, %swap3A_281] : memref<256x2048xf32, #tpu.memory_space<vmem>>, vector<256x128xf32>
      tpu.vector_store %arg20[%swap3A_280, %swap3A_281], %add3A_279 {strides = array<i32>} : memref<256x2048xf32, #tpu.memory_space<vmem>>, vector<256x128xf32>,
      %get3A_283 = arith.constant 0 : index
      %get3A_284 = arith.constant 384 : index
      %get3A_285 = vector.load %arg3[%get3A_283, %get3A_284] : memref<256x2048xf32, #tpu.memory_space<vmem>>, vector<256x128xf32>
      %slice3A_286 = vector.extract_strided_slice %get3A_252 {offsets = [0, 3], sizes = [256, 1], strides = [1, 1]} : vector<256x16xf32> to vector<256x1xf32>
      %mul3A_287 = vector.broadcast %slice3A_286 : vector<256x1xf32> to vector<256x128xf32>
      %mul3A_288 = arith.mulf %tanh3A, %mul3A_287 : vector<256x128xf32>
      %add3A_289 = arith.addf %get3A_285, %mul3A_288 : vector<256x128xf32>
      %swap3A_290 = arith.constant 0 : index
      %swap3A_291 = arith.constant 384 : index
      %swap3A_292 = vector.load %arg20[%swap3A_290, %swap3A_291] : memref<256x2048xf32, #tpu.memory_space<vmem>>, vector<256x128xf32>
      tpu.vector_store %arg20[%swap3A_290, %swap3A_291], %add3A_289 {strides = array<i32>} : memref<256x2048xf32, #tpu.memory_space<vmem>>, vector<256x128xf32>,
      %get3A_293 = arith.constant 0 : index
      %get3A_294 = arith.constant 512 : index
      %get3A_295 = vector.load %arg3[%get3A_293, %get3A_294] : memref<256x2048xf32, #tpu.memory_space<vmem>>, vector<256x128xf32>
      %slice3A_296 = vector.extract_strided_slice %get3A_252 {offsets = [0, 4], sizes = [256, 1], strides = [1, 1]} : vector<256x16xf32> to vector<256x1xf32>
      %mul3A_297 = vector.broadcast %slice3A_296 : vector<256x1xf32> to vector<256x128xf32>
      %mul3A_298 = arith.mulf %tanh3A, %mul3A_297 : vector<256x128xf32>
      %add3A_299 = arith.addf %get3A_295, %mul3A_298 : vector<256x128xf32>
      %swap3A_300 = arith.constant 0 : index
      %swap3A_301 = arith.constant 512 : index
      %swap3A_302 = vector.load %arg20[%swap3A_300, %swap3A_301] : memref<256x2048xf32, #tpu.memory_space<vmem>>, vector<256x128xf32>
      tpu.vector_store %arg20[%swap3A_300, %swap3A_301], %add3A_299 {strides = array<i32>} : memref<256x2048xf32, #tpu.memory_space<vmem>>, vector<256x128xf32>,
      %get3A_303 = arith.constant 0 : index
      %get3A_304 = arith.constant 640 : index
      %get3A_305 = vector.load %arg3[%get3A_303, %get3A_304] : memref<256x2048xf32, #tpu.memory_space<vmem>>, vector<256x128xf32>
      %slice3A_306 = vector.extract_strided_slice %get3A_252 {offsets = [0, 5], sizes = [256, 1], strides = [1, 1]} : vector<256x16xf32> to vector<256x1xf32>
      %mul3A_307 = vector.broadcast %slice3A_306 : vector<256x1xf32> to vector<256x128xf32>
      %mul3A_308 = arith.mulf %tanh3A, %mul3A_307 : vector<256x128xf32>
      %add3A_309 = arith.addf %get3A_305, %mul3A_308 : vector<256x128xf32>
      %swap3A_310 = arith.constant 0 : index
      %swap3A_311 = arith.constant 640 : index
      %swap3A_312 = vector.load %arg20[%swap3A_310, %swap3A_311] : memref<256x2048xf32, #tpu.memory_space<vmem>>, vector<256x128xf32>
      tpu.vector_store %arg20[%swap3A_310, %swap3A_311], %add3A_309 {strides = array<i32>} : memref<256x2048xf32, #tpu.memory_space<vmem>>, vector<256x128xf32>,
      %get3A_313 = arith.constant 0 : index
      %get3A_314 = arith.constant 768 : index
      %get3A_315 = vector.load %arg3[%get3A_313, %get3A_314] : memref<256x2048xf32, #tpu.memory_space<vmem>>, vector<256x128xf32>
      %slice3A_316 = vector.extract_strided_slice %get3A_252 {offsets = [0, 6], sizes = [256, 1], strides = [1, 1]} : vector<256x16xf32> to vector<256x1xf32>
      %mul3A_317 = vector.broadcast %slice3A_316 : vector<256x1xf32> to vector<256x128xf32>
      %mul3A_318 = arith.mulf %tanh3A, %mul3A_317 : vector<256x128xf32>
      %add3A_319 = arith.addf %get3A_315, %mul3A_318 : vector<256x128xf32>
      %swap3A_320 = arith.constant 0 : index
      %swap3A_321 = arith.constant 768 : index
      %swap3A_322 = vector.load %arg20[%swap3A_320, %swap3A_321] : memref<256x2048xf32, #tpu.memory_space<vmem>>, vector<256x128xf32>
      tpu.vector_store %arg20[%swap3A_320, %swap3A_321], %add3A_319 {strides = array<i32>} : memref<256x2048xf32, #tpu.memory_space<vmem>>, vector<256x128xf32>,
      %get3A_323 = arith.constant 0 : index
      %get3A_324 = arith.constant 896 : index
      %get3A_325 = vector.load %arg3[%get3A_323, %get3A_324] : memref<256x2048xf32, #tpu.memory_space<vmem>>, vector<256x128xf32>
      %slice3A_326 = vector.extract_strided_slice %get3A_252 {offsets = [0, 7], sizes = [256, 1], strides = [1, 1]} : vector<256x16xf32> to vector<256x1xf32>
      %mul3A_327 = vector.broadcast %slice3A_326 : vector<256x1xf32> to vector<256x128xf32>
      %mul3A_328 = arith.mulf %tanh3A, %mul3A_327 : vector<256x128xf32>
      %add3A_329 = arith.addf %get3A_325, %mul3A_328 : vector<256x128xf32>
      %swap3A_330 = arith.constant 0 : index
      %swap3A_331 = arith.constant 896 : index
      %swap3A_332 = vector.load %arg20[%swap3A_330, %swap3A_331] : memref<256x2048xf32, #tpu.memory_space<vmem>>, vector<256x128xf32>
      tpu.vector_store %arg20[%swap3A_330, %swap3A_331], %add3A_329 {strides = array<i32>} : memref<256x2048xf32, #tpu.memory_space<vmem>>, vector<256x128xf32>,
      %get3A_333 = arith.constant 0 : index
      %get3A_334 = arith.constant 1024 : index
      %get3A_335 = vector.load %arg3[%get3A_333, %get3A_334] : memref<256x2048xf32, #tpu.memory_space<vmem>>, vector<256x128xf32>
      %slice3A_336 = vector.extract_strided_slice %get3A_252 {offsets = [0, 8], sizes = [256, 1], strides = [1, 1]} : vector<256x16xf32> to vector<256x1xf32>
      %mul3A_337 = vector.broadcast %slice3A_336 : vector<256x1xf32> to vector<256x128xf32>
      %mul3A_338 = arith.mulf %tanh3A, %mul3A_337 : vector<256x128xf32>
      %add3A_339 = arith.addf %get3A_335, %mul3A_338 : vector<256x128xf32>
      %swap3A_340 = arith.constant 0 : index
      %swap3A_341 = arith.constant 1024 : index
      %swap3A_342 = vector.load %arg20[%swap3A_340, %swap3A_341] : memref<256x2048xf32, #tpu.memory_space<vmem>>, vector<256x128xf32>
      tpu.vector_store %arg20[%swap3A_340, %swap3A_341], %add3A_339 {strides = array<i32>} : memref<256x2048xf32, #tpu.memory_space<vmem>>, vector<256x128xf32>,
      %get3A_343 = arith.constant 0 : index
      %get3A_344 = arith.constant 1152 : index
      %get3A_345 = vector.load %arg3[%get3A_343, %get3A_344] : memref<256x2048xf32, #tpu.memory_space<vmem>>, vector<256x128xf32>
      %slice3A_346 = vector.extract_strided_slice %get3A_252 {offsets = [0, 9], sizes = [256, 1], strides = [1, 1]} : vector<256x16xf32> to vector<256x1xf32>
      %mul3A_347 = vector.broadcast %slice3A_346 : vector<256x1xf32> to vector<256x128xf32>
      %mul3A_348 = arith.mulf %tanh3A, %mul3A_347 : vector<256x128xf32>
      %add3A_349 = arith.addf %get3A_345, %mul3A_348 : vector<256x128xf32>
      %swap3A_350 = arith.constant 0 : index
      %swap3A_351 = arith.constant 1152 : index
      %swap3A_352 = vector.load %arg20[%swap3A_350, %swap3A_351] : memref<256x2048xf32, #tpu.memory_space<vmem>>, vector<256x128xf32>
      tpu.vector_store %arg20[%swap3A_350, %swap3A_351], %add3A_349 {strides = array<i32>} : memref<256x2048xf32, #tpu.memory_space<vmem>>, vector<256x128xf32>,
      %get3A_353 = arith.constant 0 : index
      %get3A_354 = arith.constant 1280 : index
      %get3A_355 = vector.load %arg3[%get3A_353, %get3A_354] : memref<256x2048xf32, #tpu.memory_space<vmem>>, vector<256x128xf32>
      %slice3A_356 = vector.extract_strided_slice %get3A_252 {offsets = [0, 10], sizes = [256, 1], strides = [1, 1]} : vector<256x16xf32> to vector<256x1xf32>
      %mul3A_357 = vector.broadcast %slice3A_356 : vector<256x1xf32> to vector<256x128xf32>
      %mul3A_358 = arith.mulf %tanh3A, %mul3A_357 : vector<256x128xf32>
      %add3A_359 = arith.addf %get3A_355, %mul3A_358 : vector<256x128xf32>
      %swap3A_360 = arith.constant 0 : index
      %swap3A_361 = arith.constant 1280 : index
      %swap3A_362 = vector.load %arg20[%swap3A_360, %swap3A_361] : memref<256x2048xf32, #tpu.memory_space<vmem>>, vector<256x128xf32>
      tpu.vector_store %arg20[%swap3A_360, %swap3A_361], %add3A_359 {strides = array<i32>} : memref<256x2048xf32, #tpu.memory_space<vmem>>, vector<256x128xf32>,
      %get3A_363 = arith.constant 0 : index
      %get3A_364 = arith.constant 1408 : index
      %get3A_365 = vector.load %arg3[%get3A_363, %get3A_364] : memref<256x2048xf32, #tpu.memory_space<vmem>>, vector<256x128xf32>
      %slice3A_366 = vector.extract_strided_slice %get3A_252 {offsets = [0, 11], sizes = [256, 1], strides = [1, 1]} : vector<256x16xf32> to vector<256x1xf32>
      %mul3A_367 = vector.broadcast %slice3A_366 : vector<256x1xf32> to vector<256x128xf32>
      %mul3A_368 = arith.mulf %tanh3A, %mul3A_367 : vector<256x128xf32>
      %add3A_369 = arith.addf %get3A_365, %mul3A_368 : vector<256x128xf32>
      %swap3A_370 = arith.constant 0 : index
      %swap3A_371 = arith.constant 1408 : index
      %swap3A_372 = vector.load %arg20[%swap3A_370, %swap3A_371] : memref<256x2048xf32, #tpu.memory_space<vmem>>, vector<256x128xf32>
      tpu.vector_store %arg20[%swap3A_370, %swap3A_371], %add3A_369 {strides = array<i32>} : memref<256x2048xf32, #tpu.memory_space<vmem>>, vector<256x128xf32>,
      %get3A_373 = arith.constant 0 : index
      %get3A_374 = arith.constant 1536 : index
      %get3A_375 = vector.load %arg3[%get3A_373, %get3A_374] : memref<256x2048xf32, #tpu.memory_space<vmem>>, vector<256x128xf32>
      %slice3A_376 = vector.extract_strided_slice %get3A_252 {offsets = [0, 12], sizes = [256, 1], strides = [1, 1]} : vector<256x16xf32> to vector<256x1xf32>
      %mul3A_377 = vector.broadcast %slice3A_376 : vector<256x1xf32> to vector<256x128xf32>
      %mul3A_378 = arith.mulf %tanh3A, %mul3A_377 : vector<256x128xf32>
      %add3A_379 = arith.addf %get3A_375, %mul3A_378 : vector<256x128xf32>
      %swap3A_380 = arith.constant 0 : index
      %swap3A_381 = arith.constant 1536 : index
      %swap3A_382 = vector.load %arg20[%swap3A_380, %swap3A_381] : memref<256x2048xf32, #tpu.memory_space<vmem>>, vector<256x128xf32>
      tpu.vector_store %arg20[%swap3A_380, %swap3A_381], %add3A_379 {strides = array<i32>} : memref<256x2048xf32, #tpu.memory_space<vmem>>, vector<256x128xf32>,
      %get3A_383 = arith.constant 0 : index
      %get3A_384 = arith.constant 1664 : index
      %get3A_385 = vector.load %arg3[%get3A_383, %get3A_384] : memref<256x2048xf32, #tpu.memory_space<vmem>>, vector<256x128xf32>
      %slice3A_386 = vector.extract_strided_slice %get3A_252 {offsets = [0, 13], sizes = [256, 1], strides = [1, 1]} : vector<256x16xf32> to vector<256x1xf32>
      %mul3A_387 = vector.broadcast %slice3A_386 : vector<256x1xf32> to vector<256x128xf32>
      %mul3A_388 = arith.mulf %tanh3A, %mul3A_387 : vector<256x128xf32>
      %add3A_389 = arith.addf %get3A_385, %mul3A_388 : vector<256x128xf32>
      %swap3A_390 = arith.constant 0 : index
      %swap3A_391 = arith.constant 1664 : index
      %swap3A_392 = vector.load %arg20[%swap3A_390, %swap3A_391] : memref<256x2048xf32, #tpu.memory_space<vmem>>, vector<256x128xf32>
      tpu.vector_store %arg20[%swap3A_390, %swap3A_391], %add3A_389 {strides = array<i32>} : memref<256x2048xf32, #tpu.memory_space<vmem>>, vector<256x128xf32>,
      %get3A_393 = arith.constant 0 : index
      %get3A_394 = arith.constant 1792 : index
      %get3A_395 = vector.load %arg3[%get3A_393, %get3A_394] : memref<256x2048xf32, #tpu.memory_space<vmem>>, vector<256x128xf32>
      %slice3A_396 = vector.extract_strided_slice %get3A_252 {offsets = [0, 14], sizes = [256, 1], strides = [1, 1]} : vector<256x16xf32> to vector<256x1xf32>
      %mul3A_397 = vector.broadcast %slice3A_396 : vector<256x1xf32> to vector<256x128xf32>
      %mul3A_398 = arith.mulf %tanh3A, %mul3A_397 : vector<256x128xf32>
      %add3A_399 = arith.addf %get3A_395, %mul3A_398 : vector<256x128xf32>
      %swap3A_400 = arith.constant 0 : index
      %swap3A_401 = arith.constant 1792 : index
      %swap3A_402 = vector.load %arg20[%swap3A_400, %swap3A_401] : memref<256x2048xf32, #tpu.memory_space<vmem>>, vector<256x128xf32>
      tpu.vector_store %arg20[%swap3A_400, %swap3A_401], %add3A_399 {strides = array<i32>} : memref<256x2048xf32, #tpu.memory_space<vmem>>, vector<256x128xf32>,
      %get3A_403 = arith.constant 0 : index
      %get3A_404 = arith.constant 1920 : index
      %get3A_405 = vector.load %arg3[%get3A_403, %get3A_404] : memref<256x2048xf32, #tpu.memory_space<vmem>>, vector<256x128xf32>
      %slice3A_406 = vector.extract_strided_slice %get3A_252 {offsets = [0, 15], sizes = [256, 1], strides = [1, 1]} : vector<256x16xf32> to vector<256x1xf32>
      %mul3A_407 = vector.broadcast %slice3A_406 : vector<256x1xf32> to vector<256x128xf32>
      %mul3A_408 = arith.mulf %tanh3A, %mul3A_407 : vector<256x128xf32>
      %add3A_409 = arith.addf %get3A_405, %mul3A_408 : vector<256x128xf32>
      %swap3A_410 = arith.constant 0 : index
      %swap3A_411 = arith.constant 1920 : index
      %swap3A_412 = vector.load %arg20[%swap3A_410, %swap3A_411] : memref<256x2048xf32, #tpu.memory_space<vmem>>, vector<256x128xf32>
      tpu.vector_store %arg20[%swap3A_410, %swap3A_411], %add3A_409 {strides = array<i32>} : memref<256x2048xf32, #tpu.memory_space<vmem>>, vector<256x128xf32>,
    } else {
    }
    return
  }
  func.func @transform_0(%arg0: i32) -> (i32, i32, i32) {
    %c0_i32 = arith.constant 0 : i32
    %c0_i32_0 = arith.constant 0 : i32
    %c0_i32_1 = arith.constant 0 : i32
    return %arg0, %c0_i32, %c0_i32_0 : i32, i32, i32
  }
  func.func @transform_1(%arg0: i32) -> (i32, i32) {
    %c0_i32 = arith.constant 0 : i32
    %c0_i32_0 = arith.constant 0 : i32
    return %arg0, %c0_i32 : i32, i32
  }
  func.func @transform_2(%arg0: i32) -> (i32, i32) {
    %c0_i32 = arith.constant 0 : i32
    %c0_i32_0 = arith.constant 0 : i32
    %c0_i32_1 = arith.constant 0 : i32
    return %c0_i32, %c0_i32_0 : i32, i32
  }
  func.func @transform_3(%arg0: i32) -> (i32, i32) {
    %c0_i32 = arith.constant 0 : i32
    %c0_i32_0 = arith.constant 0 : i32
    %c0_i32_1 = arith.constant 0 : i32
    return %c0_i32, %c0_i32_0 : i32, i32
  }
  func.func @transform_4(%arg0: i32) -> (i32, i32) {
    %c0_i32 = arith.constant 0 : i32
    %c0_i32_0 = arith.constant 0 : i32
    %c0_i32_1 = arith.constant 0 : i32
    return %c0_i32, %c0_i32_0 : i32, i32
  }
  func.func @transform_5(%arg0: i32) -> (i32, i32) {
    %c0_i32 = arith.constant 0 : i32
    %c0_i32_0 = arith.constant 0 : i32
    %c0_i32_1 = arith.constant 0 : i32
    return %c0_i32, %c0_i32_0 : i32, i32
  }
  func.func @transform_6(%arg0: i32) -> (i32, i32) {
    %c0_i32 = arith.constant 0 : i32
    %c0_i32_0 = arith.constant 0 : i32
    %c0_i32_1 = arith.constant 0 : i32
    return %c0_i32, %c0_i32_0 : i32, i32
  }
  func.func @transform_7(%arg0: i32) -> (i32, i32) {
    %c0_i32 = arith.constant 0 : i32
    %c0_i32_0 = arith.constant 0 : i32
    %c0_i32_1 = arith.constant 0 : i32
    return %c0_i32, %c0_i32_0 : i32, i32
  }
  func.func @transform_8(%arg0: i32) -> (i32, i32) {
    %c0_i32 = arith.constant 0 : i32
    %c0_i32_0 = arith.constant 0 : i32
    %c0_i32_1 = arith.constant 0 : i32
    return %c0_i32, %c0_i32_0 : i32, i32
  }
  func.func @transform_9(%arg0: i32) -> (i32, i32) {
    %c0_i32 = arith.constant 0 : i32
    %c0_i32_0 = arith.constant 0 : i32
    %c0_i32_1 = arith.constant 0 : i32
    return %c0_i32, %c0_i32_0 : i32, i32
  }
  func.func @transform_10(%arg0: i32) -> (i32, i32) {
    %c0_i32 = arith.constant 0 : i32
    %c0_i32_0 = arith.constant 0 : i32
    %c0_i32_1 = arith.constant 0 : i32
    return %c0_i32, %c0_i32_0 : i32, i32
  }
  func.func @transform_11(%arg0: i32) -> (i32, i32) {
    %c0_i32 = arith.constant 0 : i32
    %c0_i32_0 = arith.constant 0 : i32
    %c0_i32_1 = arith.constant 0 : i32
    return %c0_i32, %c0_i32_0 : i32, i32
  }
  func.func @transform_12(%arg0: i32) -> (i32, i32) {
    %c0_i32 = arith.constant 0 : i32
    %c0_i32_0 = arith.constant 0 : i32
    %c0_i32_1 = arith.constant 0 : i32
    return %c0_i32, %c0_i32_0 : i32, i32
  }
  func.func @transform_13(%arg0: i32) -> (i32, i32) {
    %c0_i32 = arith.constant 0 : i32
    %c0_i32_0 = arith.constant 0 : i32
    %c0_i32_1 = arith.constant 0 : i32
    return %c0_i32, %c0_i32_0 : i32, i32
  }
  func.func @transform_14(%arg0: i32) -> (i32, i32) {
    %c0_i32 = arith.constant 0 : i32
    %c0_i32_0 = arith.constant 0 : i32
    %c0_i32_1 = arith.constant 0 : i32
    return %c0_i32, %c0_i32_0 : i32, i32
  }
  func.func @transform_15(%arg0: i32) -> (i32, i32) {
    %c0_i32 = arith.constant 0 : i32
    %c0_i32_0 = arith.constant 0 : i32
    %c0_i32_1 = arith.constant 0 : i32
    return %c0_i32, %c0_i32_0 : i32, i32
  }
  func.func @transform_16(%arg0: i32) -> (i32, i32) {
    %c0_i32 = arith.constant 0 : i32
    %c0_i32_0 = arith.constant 0 : i32
    %c0_i32_1 = arith.constant 0 : i32
    return %c0_i32, %c0_i32_0 : i32, i32
  }
  func.func @transform_17(%arg0: i32) -> (i32, i32) {
    %c0_i32 = arith.constant 0 : i32
    %c0_i32_0 = arith.constant 0 : i32
    %c0_i32_1 = arith.constant 0 : i32
    return %c0_i32, %c0_i32_0 : i32, i32
  }
  func.func @transform_18(%arg0: i32) -> (i32, i32) {
    %c0_i32 = arith.constant 0 : i32
    %c0_i32_0 = arith.constant 0 : i32
    return %arg0, %c0_i32 : i32, i32
  }
  func.func @transform_19(%arg0: i32) -> (i32, i32) {
    %c0_i32 = arith.constant 0 : i32
    %c0_i32_0 = arith.constant 0 : i32
    %c0_i32_1 = arith.constant 0 : i32
    return %c0_i32, %c0_i32_0 : i32, i32
  }
}

</mosaic_0001>

<sc_bundles>
// kernel: kernel.4.cloned.1.call-start
scs
__scs_entry_jumppad:
0x0: {  	(pc) =	sbr.rel $0x88, $3  }
0x1: {  	(tag) =	ssettag $0x0;
	lr =	simm.s32 $0x1  }
0x2: {  	[smem:$0x3F92] =	sst lr;
	_ =	strace $0xD0000000  }
0x3: {  	_ = 	snop  }
0x4: {  	_ = 	snop  }
0x5: {  	_ = 	snop  }
0x6: {  	_ = 	snop  }
0x7: {  	_ = 	snop  }
__scs_overlays_trampoline_lowered:
0x8: {  	[smem:$0x3FA1] =	sst s0  }
0x9: {  	[smem:$0x3FA2] =	sst s1  }
0xa: {  	[smem:$0x3FA3] =	sst s2  }
0xb: {  	[smem:$0x3FA4] =	sst s3  }
0xc: {  	[smem:$0x3FA5] =	sst s4  }
0xd: {  	[smem:$0x3FA6] =	sst s5  }
0xe: {  	[smem:$0x3FA7] =	sst s6  }
0xf: {  	[smem:$0x3FA8] =	sst s7  }
0x10: {  	[smem:$0x3FA9] =	sst s8  }
0x11: {  	[smem:$0x3FAA] =	sst s9;
	s0 =	simm.s32 @!p0 $0x0  }
0x12: {  	s1 =	sld [smem:$0x3F90];
	s0 =	simm.s32 @p0 $0x1  }
0x13: {  	[smem:$0x3FAB] =	sst s0;
	s0 =	simm.s32 @!p1 $0x0  }
0x14: {  	s2 =	sld [smem:$0x3F8F];
	s0 =	simm.s32 @p1 $0x1  }
0x15: {  	[smem:$0x3FAC] =	sst s0;
	s0 =	simm.s32 @!p2 $0x0  }
0x16: {  	s3 =	sld [smem:$0x3FDB];
	s0 =	simm.s32 @p2 $0x1  }
0x17: {  	s4 =	simm.s32 $0x1BF5;
	[smem:$0x3FAE] =	sst s0  }
0x18: {  	s0 =	sld [smem:$0x3F91];
	_ =	swait.ge [sflag:s4], $0x0  }
0x19: {  	s7 =	sld [smem:$0x3F92]  }
0x1a: {  	s8 =	sadd.s32 $0xFFFFE003, lr  }
0x1b: {  	s9 =	sadd.s32 $0xFFFFFEF7, lr;
	s5 =	simm.s32 $0xFFFFFFFF;
	p2 =	slt.u32 s8, $0xFFFFF086  }
0x1c: {  	p1 =	slt.u32 s9, $0xF7A;
	s5 =	simm.s32 @!p2 $0x0  }
0x1d: {  	s5 =	simm.s32 @p1 $0x1;
	p0 =	seq.s32 s7, s2  }
0x1e: {  	s7 =	smul.u32 @!p0 $0xF7A, s2;
	p2 =	seq.s32 @!p0 s5, $0x0  }
0x1f: {  	s9 =	smul.u32 $0xF7A, s1;
	s8 =	simm.s32 @!p0 $0x1BF5;
	p2 =	por !p2, p0  }
0x20: {  	[sflag:s8] =	ssyncset.s32 @!p0 $0xFFFFF086;
	s6 =	sadd.s32 @!p0 s3, s7;
	s7 =	simm.s32 @!p0 $0x108  }
0x21: {  	s3 =	sadd.s32 s3, s9;
	s6 =	sadd.s32 @!p0 $0x88, s6;
	s7 =	simm.s32 @p2 $0x1082  }
0x22: {  	[simem:s7], [sflag:s8] =	dma.local @!p0 [hbm:s6], $0xF7A  }
0x23: {  	s9 =	sor.u32 $0xD0000000, s2;
	s6 =	simm.s32 $0x108;
	_ =	swait.ge @!p0 [sflag:s8], $0x0  }
0x24: {  	s3 =	sadd.s32 $0x88, s3;
	s6 =	simm.s32 @!p1 $0x1082;
	[sflag:s4] =	ssyncset.s32 $0xFFFFF086  }
0x25: {  	[simem:s6], [sflag:s4] =	dma.local [hbm:s3], $0xF7A  }
0x26: {  	[smem:$0x3F92] =	sst s1;
	(tag) =	ssettag s2;
	_ =	strace s9  }
0x27: {  	s1 =	sld [smem:$0x3FA2]  }
0x28: {  	s2 =	sld [smem:$0x3FA3]  }
0x29: {  	s4 =	sld [smem:$0x3FA5]  }
0x2a: {  	p0 =	seq.s32 s5, $0x0;
	s5 =	sld [smem:$0x3FA6]  }
0x2b: {  	s6 =	sld [smem:$0x3FA7]  }
0x2c: {  	s7 =	sld [smem:$0x3FA8]  }
0x2d: {  	s3 =	simm.s32 $0x108;
	s8 =	sld [smem:$0x3FA9]  }
0x2e: {  	s3 =	simm.s32 @!p0 $0x1082;
	s9 =	sld [smem:$0x3FAA]  }
0x2f: {  	lr =	sadd.s32 s0, s3;
	s0 =	sld [smem:$0x3FA1]  }
0x30: {  	s3 =	sld [smem:$0x3FA4]  }
0x31: {  	[smem:$0x3FAD] =	sst s10  }
0x32: {  	s10 =	sld [smem:$0x3FAB];
	_ =	sdelay $0x3  }
0x33: {  	p0 =	seq.s32 s10, $0x1;
	s10 =	sld [smem:$0x3FAD];
	_ =	sdelay $0x3  }
0x34: {  	[smem:$0x3FAD] =	sst s10  }
0x35: {  	s10 =	sld [smem:$0x3FAC];
	_ =	sdelay $0x3  }
0x36: {  	p1 =	seq.s32 s10, $0x1;
	s10 =	sld [smem:$0x3FAD];
	_ =	sdelay $0x3  }
0x37: {  	[smem:$0x3FAD] =	sst s10  }
0x38: {  	s10 =	sld [smem:$0x3FAE]  }
0x39: {  	_ = 	snop;
	(pc) =	sbr.ind lr, $3  }
0x3a: {  	_ = 	snop  }
0x3b: {  	_ = 	snop  }
0x3c: {  	p2 =	seq.s32 s10, $0x1;
	s10 =	sld [smem:$0x3FAD]  }
0x3d: {  	_ =	shalt  }
0x3e: {  	_ =	shalt  }
0x3f: {  	_ =	shalt  }
0x40: {  	_ =	shalt  }
0x41: {  	_ =	shalt  }
0x42: {  	_ =	shalt  }
0x43: {  	_ =	shalt  }
0x44: {  	_ =	shalt  }
0x45: {  	_ =	shalt  }
0x46: {  	_ =	shalt  }
0x47: {  	_ =	shalt  }
0x48: {  	_ =	shalt  }
0x49: {  	_ =	shalt  }
0x4a: {  	_ =	shalt  }
0x4b: {  	_ =	shalt  }
0x4c: {  	_ =	shalt  }
0x4d: {  	_ =	shalt  }
0x4e: {  	_ =	shalt  }
0x4f: {  	_ =	shalt  }
0x50: {  	_ =	shalt  }
0x51: {  	_ =	shalt  }
0x52: {  	_ =	shalt  }
0x53: {  	_ =	shalt  }
0x54: {  	_ =	shalt  }
0x55: {  	_ =	shalt  }
0x56: {  	_ =	shalt  }
0x57: {  	_ =	shalt  }
0x58: {  	_ =	shalt  }
0x59: {  	_ =	shalt  }
0x5a: {  	_ =	shalt  }
0x5b: {  	_ =	shalt  }
0x5c: {  	_ =	shalt  }
0x5d: {  	_ =	shalt  }
0x5e: {  	_ =	shalt  }
0x5f: {  	_ =	shalt  }
0x60: {  	_ =	shalt  }
0x61: {  	_ =	shalt  }
0x62: {  	_ =	shalt  }
0x63: {  	_ =	shalt  }
0x64: {  	_ =	shalt  }
0x65: {  	_ =	shalt  }
0x66: {  	_ =	shalt  }
0x67: {  	_ =	shalt  }
0x68: {  	_ =	shalt  }
0x69: {  	_ =	shalt  }
0x6a: {  	_ =	shalt  }
0x6b: {  	_ =	shalt  }
0x6c: {  	_ =	shalt  }
0x6d: {  	_ =	shalt  }
0x6e: {  	_ =	shalt  }
0x6f: {  	_ =	shalt  }
0x70: {  	_ =	shalt  }
0x71: {  	_ =	shalt  }
0x72: {  	_ =	shalt  }
0x73: {  	_ =	shalt  }
0x74: {  	_ =	shalt  }
0x75: {  	_ =	shalt  }
0x76: {  	_ =	shalt  }
0x77: {  	_ =	shalt  }
0x78: {  	_ =	shalt  }
0x79: {  	_ =	shalt  }
0x7a: {  	_ =	shalt  }
0x7b: {  	_ =	shalt  }
0x7c: {  	_ =	shalt  }
0x7d: {  	_ =	shalt  }
0x7e: {  	_ =	shalt  }
0x7f: {  	_ =	shalt  }
0x80: {  	_ =	shalt  }
0x81: {  	_ =	shalt  }
0x82: {  	_ =	shalt  }
0x83: {  	_ =	shalt  }
0x84: {  	_ =	shalt  }
0x85: {  	_ =	shalt  }
0x86: {  	_ =	shalt  }
0x87: {  	_ =	shalt  }
.Lfunc_end0:
.L_simem_size_0:
called_computation_lowered:
.L_overlay_start_0:
0x88: {  	s2 =	sld [smem:$0x3FD9]  }
0x89: {  	s3 =	sld [smem:$0x3FFE];
	_ =	sdelay $0x1  }
0x8a: {  	s1 =	srdreg.scid  }
0x8b: {  	s0 =	sand.u32 $0x1, s1  }
0x8c: {  	s14 =	sshll.u32 s0, $0xA;
	s2 =	sadd.s32 s3, s2  }
0x8d: {  	s2 =	sadd.s32 s2, s14  }
0x8e: {  	[smem:$0x3FB9] =	sst s2  }
0x8f: {  	_ = 	snop  }
0x90: {  	s2 =	sld [smem:$0x3FD0];
	_ =	sdelay $0x2  }
0x91: {  	s15 =	simm.s32 $0xA;
	s4 =	simm.s32 $0x10  }
0x92: {  	[smem:s4], [sflag:s15] =	dma.local [hbm:s2], $0x1  }
0x93: {  	_ =	swait.eq [sflag:s15], $0x1  }
0x94: {  	s16 =	sld [smem:$0x11];
	[sflag:s15] =	ssyncset.done $0x0  }
0x95: {  	s17 =	sld [smem:$0x13];
	[sflag:s15] =	ssyncadd.s32 $0xFFFFFFFF  }
0x96: {  	s18 =	sld [smem:$0x14];
	(tm) =	ssettm $0x1  }
0x97: {  	s5 =	sld [smem:$0x3FFB];
	_ =	sdelay $0x3  }
0x98: {  	_ =	strace s5  }
0x99: {  	s5 =	sld [smem:$0x3FFC];
	_ =	sdelay $0x3  }
0x9a: {  	_ =	strace s5  }
0x9b: {  	s5 =	sld [smem:$0x3FFD];
	_ =	sdelay $0x3  }
0x9c: {  	_ =	strace s5  }
0x9d: {  	_ =	strace $0x8FFFFFFF  }
0x9e: {  	s19 =	sld [smem:$0x3FDB];
	_ =	sdelay $0x1  }
0x9f: {  	s6 =	simm.s32 $_scs_section_size  }
0xa0: {  	s7 =	simm.s32 $_size__tile_overlayer_lowered;
	s8 =	simm.s32 $_tile_overlayer_lowered  }
0xa1: {  	s22 =	simm.s32 $0x1BFF;
	s21 =	sshll.u32 s8, $0x1;
	s5 =	sadd.s32 s6, s19  }
0xa2: {  	s9 =	simm.s32 $0x0;
	s20 =	sshll.u32 s7, $0x1;
	s7 =	sadd.s32 s21, s5  }
0xa3: {  	[timem:s9], [sflag:s22] =	dma.local [hbm:s7], s20  }
0xa4: {  	_ =	swait.ge [sflag:s22], s20  }
0xa5: {  	s6 =	ssub.s32 $0x0, s20;
	[sflag:s22] =	ssyncset.done $0x0  }
0xa6: {  	[sflag:s22] =	ssyncadd.s32 s6;
	_ =	sdelay $0x1  }
0xa7: {  	s23 =	simm.s32 $0x1B8B  }
0xa8: {  	_ =	swait.ge [sflag:s23], $0x1  }
0xa9: {  	[sflag:s23] =	ssyncset.done $0x0  }
0xaa: {  	s25 =	simm.s32 $0x1B8E;
	s24 =	sld [smem:$0x3FFE];
	[sflag:s23] =	ssyncadd.s32 $0xFFFFFFFF  }
0xab: {  	s26 =	simm.s32 $execute0_lowered;
	[smem:$0x3FD2] =	sst s25  }
0xac: {  	s7 =	sshll.u32 s26, $0x1;
	_ =	strace $0x80000046;
	[dreg:$0x1] =	wrdreg $0xFFFFFFFF  }
0xad: {  	s28 =	simm.s32 $_size_execute0_lowered;
	s5 =	sadd.s32 s5, s7;
	[dreg:$0x0] =	wrdreg $0x0  }
0xae: {  	s7 =	sshll.u32 s28, $0x1;
	[dreg:$0x2] =	wrdreg s5  }
0xaf: {  	[dreg:$0x3] =	wrdreg s7  }
0xb0: {  	[dreg:$0x4] =	wrdreg $0xC0  }
0xb1: {  	_ =	task [dreg:s9], $0x5FFFF  }
0xb2: {  	[dreg:$0x1] =	wrdreg $0xFFFFFFFF  }
0xb3: {  	[dreg:$0x0] =	wrdreg $0x60  }
0xb4: {  	[dreg:$0x2] =	wrdreg s18  }
0xb5: {  	[dreg:$0x3] =	wrdreg s17  }
0xb6: {  	[dreg:$0x4] =	wrdreg s16  }
0xb7: {  	[dreg:$0x5] =	wrdreg s24  }
0xb8: {  	[dreg:$0x6] =	wrdreg $0x9  }
0xb9: {  	_ =	task.clear_ibuf [dreg:s9], $0x7FFFF;
	_ =	strace $0x90000046  }
0xba: {  	s29 =	simm.s32 $0x9;
	_ =	strace $0x80000048  }
0xbb: {  	_ =	swait.ge [sflag:s29], $0x1  }
0xbc: {  	[sflag:s29] =	ssyncadd.s32 $0xFFFFFFFF  }
0xbd: {  	_ =	strace $0x90000048  }
0xbe: {  	_ =	sfence  }
0xbf: {  	s30 =	sld [smem:$0x0];
	_ =	sdelay $0x2  }
0xc0: {  	s31 =	sshll.u32 s1, $0xD;
	s1 =	sshrl.u32 s1, $0x2  }
0xc1: {  	s3 =	sand.u32 $0x4000, s31;
	s1 =	sadd.s32 s1, s30  }
0xc2: {  	s0 =	sor.u32 s3, s0;
	s1 =	sshll.u32 s1, $0x11  }
0xc3: {  	s0 =	sor.u32 s1, s0  }
0xc4: {  	s0 =	sadd.s32 $0x8F2B, s0  }
0xc5: {  	[sflag:s0] =	ssyncadd.remote.s32 $0x1  }
0xc6: {  	_ =	sfence.sel $0xFFFF  }
0xc7: {  	[dreg:$0x0] =	wrdreg $0xFFFFFFFF;
	(pc) =	sbr.abs _section_cstart, $3  }
0xc8: {  	[dreg:$0x1] =	wrdreg $0xFFFFFFFF  }
0xc9: {  	_ =	task.clear_ibuf [dreg:s9], $0x2FFFF;
	_ =	strace $0x9FFFFFFF  }
0xca: {  	(tm) =	ssettm $0x7FFFFFFF  }
0xcb: {  	_ =	shalt  }
tec
execute0_lowered:
.L_overlay_start_1:
0x0: {  	(tag) =	ssettag $0x1  }
0x1: {  	s3 =	rddreg [dreg:$0x0]  }
0x2: {  	s4 =	rddreg [dreg:$0x1]  }
0x3: {  	s5 =	rddreg [dreg:$0x2]  }
0x4: {  	s6 =	rddreg [dreg:$0x3]  }
0x5: {  	s0 =	rddreg [dreg:$0x4];
	s7 =	srdreg.scid  }
0x6: {  	s2 =	simm.s32 $0x0;
	s1 =	stileid.u32;
	s7 =	sand.u32 $0x1, s7  }
0x7: {  	s8 =	sshll.u32 s1, $0x5;
	s9 =	sshll.u32 s7, $0x4;
	s7 =	ssub.s32 $0x2, s7  }
0x8: {  	[smem:$0x7FF] =	sst s2;
	s10 =	sor.u32 s9, s8;
	s31 =	sshrl.u32 s7, $0x1  }
0x9: {  	_ =	strace $0x80000047;
	s8 =	sadd.s32 s3, s10;
	s7 =	ssub.s32 s7, s31  }
0xa: {  	v0 =	vimm.s32 $0xEDCBA987;
	v1 =	vimm.s32 $0x6543210F;
	[tilespmem:s2], [sflag:$0x1] =	stream.linear.gather [hbm4b:s8+s2], $0x80, $0x38;
	[tilespmem:$0x200] =	vst v63  }
0xb: {  	v0 =	vunpack.c.l.s4.s8 v0;
	v1 =	vunpack.c.l.s4.s8 v1;
	s11 =	smax.u32 s7, $0x1  }
0xc: {  	s3 =	simm.s32 $0x1;
	s6 =	sadd.s32 s10, s6;
	p0 =	sne.s32 s11, $0x1  }
.Ltmp0:
0xd: {  	v0 =	vunpack.c.0.s8.s32 v0;
	v1 =	vunpack.c.0.s8.s32 v1;
	s9 =	sadd.s32 s4, s10;
	_ =	swait.ge [sflag:s3], $0x80;
	(pc) =	sbr.rel @!p0 .LBB2_2-.Ltmp0, $4  }
0xe: {  	s4 =	sadd.s32 s5, s10;
	s10 =	simm.s32 $0x80;
	[sflag:s3] =	ssyncset.done $0x0  }
0xf: {  	v0 =	vcombine.low v1, v0;
	s5 =	sadd.s32 $0x2400, s6;
	s7 =	simm.s32 $0x100;
	[sflag:s3] =	ssyncadd.s32 $0xFFFFFF80  }
0x10: {  	[tilespmem:s10], [sflag:$0x1] =	stream.linear.gather [hbm4b:s9+s2], $0x80, $0x38;
	[tilespmem:$0x200] =	vst v63  }
0x11: {  	s6 =	simm.s32 $0x180;
	s11 =	sadd.s32 $0xFFFFFFFF, s11;
	v0 =	vand.u32 $0xF, v0;
	_ =	swait.ge [sflag:s3], $0x80  }
.LBB2_1:
0x12: {  	p0 =	sne.s32 s11, $0x1;
	s11 =	sadd.s32 $0xFFFFFFFF, s11;
	[sflag:s3] =	ssyncset.done $0x0  }
0x13: {  	[sflag:s3] =	ssyncadd.s32 $0xFFFFFF80  }
0x14: {  	v1 =	vld [tilespmem:$0x30]  }
0x15: {  	v2 =	vld [tilespmem:$0xB0]  }
0x16: {  	v3 =	vld [tilespmem:$0x20]  }
0x17: {  	v4 =	vld [tilespmem:$0xC0]  }
0x18: {  	v5 =	vld [tilespmem:$0xA0]  }
0x19: {  	v6 =	vld [tilespmem:$0x40]  }
0x1a: {  	v7 =	vld [tilespmem:$0x90]  }
0x1b: {  	v8 =	vperm.xlane v3, v0;
	v9 =	vld [tilespmem:$0xD0]  }
0x1c: {  	v10 =	vld [tilespmem:$0x10]  }
0x1d: {  	[tilespmem:$0x120] =	vst v8;
	v3 =	vadd.f32 v5, v3;
	v5 =	vld [tilespmem:$0x50]  }
0x1e: {  	v2 =	vadd.f32 v2, v1;
	v8 =	vld [tilespmem:$0xE0]  }
0x1f: {  	v1 =	vperm.xlane v1, v0;
	v4 =	vadd.f32 v4, v6;
	v11 =	vld [tilespmem:$0x0];
	v3 =	vmin.f32 v3, $1.000000000e+00  }
0x20: {  	v2 =	vmin.f32 v2, $1.000000000e+00;
	[tilespmem:$0x1A0] =	vst v3;
	v3 =	vperm.xlane v6, v0;
	v6 =	vld [tilespmem:$0x60]  }
0x21: {  	v12 =	vld [tilespmem:$0x80];
	v13 =	vperm.xlane v10, v0;
	v7 =	vadd.f32 v7, v10;
	[tilespmem:$0x1B0] =	vst v2;
	v2 =	vmin.f32 v4, $1.000000000e+00  }
0x22: {  	[tilespmem:$0x140] =	vst v3;
	v3 =	vperm.xlane v5, v0;
	v4 =	vadd.f32 v9, v5;
	v5 =	vld [tilespmem:$0xF0]  }
0x23: {  	[tilespmem:$0x110] =	vst v13;
	v7 =	vmin.f32 v7, $1.000000000e+00;
	v9 =	vld [tilespmem:$0x70]  }
0x24: {  	v10 =	vperm.xlane v11, v0;
	[tilespmem:$0x190] =	vst v7;
	v4 =	vmin.f32 v4, $1.000000000e+00  }
0x25: {  	[tilespmem:$0x1D0] =	vst v4;
	v4 =	vperm.xlane v6, v0;
	v6 =	vadd.f32 v8, v6  }
0x26: {  	[tilespmem:$0x100] =	vst v10;
	v7 =	vadd.f32 v12, v11  }
0x27: {  	[tilespmem:$0x160] =	vst v4;
	v4 =	vmin.f32 v6, $1.000000000e+00  }
0x28: {  	v6 =	vmin.f32 v7, $1.000000000e+00;
	[tilespmem:$0x130] =	vst v1;
	v1 =	vperm.xlane v9, v0;
	v5 =	vadd.f32 v5, v9  }
0x29: {  	[tilespmem:$0x1C0] =	vst v2  }
0x2a: {  	[tilespmem:$0x1E0] =	vst v4;
	v2 =	vmin.f32 v5, $1.000000000e+00  }
0x2b: {  	[tilespmem:$0x180] =	vst v6  }
0x2c: {  	[tilespmem:$0x150] =	vst v3  }
0x2d: {  	[tilespmem:$0x1F0] =	vst v2  }
0x2e: {  	[tilespmem:$0x170] =	vst v1  }
0x2f: {  	[hbm4b:s4+s2] =	stream.linear.scatter [tilespmem:s7], [sflag:$0x1], $0x80, $0x38;
	[tilespmem:$0x200] =	vst v63  }
0x30: {  	_ =	swait.ge [sflag:s3], $0x80  }
0x31: {  	[sflag:s3] =	ssyncset.done $0x0  }
0x32: {  	[sflag:s3] =	ssyncadd.s32 $0xFFFFFF80  }
0x33: {  	[hbm4b:s5+s2] =	stream.linear.scatter [tilespmem:s6], [sflag:$0x1], $0x80, $0x38;
	[tilespmem:$0x200] =	vst v63  }
0x34: {  	_ =	swait.ge [sflag:s3], $0x80  }
0x35: {  	[sflag:s3] =	ssyncset.done $0x0  }
0x36: {  	[sflag:s3] =	ssyncadd.s32 $0xFFFFFF80  }
0x37: {  	[tilespmem:s2], [sflag:$0x1] =	stream.linear.gather [hbm4b:s8+s2], $0x80, $0x38;
	[tilespmem:$0x200] =	vst v63  }
.Ltmp1:
0x38: {  	_ =	swait.ge [sflag:s3], $0x80;
	(pc) =	sbr.rel @p0 .LBB2_1-.Ltmp1, $4  }
0x39: {  	[sflag:s3] =	ssyncset.done $0x0  }
0x3a: {  	[sflag:s3] =	ssyncadd.s32 $0xFFFFFF80  }
0x3b: {  	[tilespmem:s10], [sflag:$0x1] =	stream.linear.gather [hbm4b:s9+s2], $0x80, $0x38;
	[tilespmem:$0x200] =	vst v63  }
0x3c: {  	_ =	swait.ge [sflag:s3], $0x80  }
.LBB2_2:
0x3d: {  	[sflag:s3] =	ssyncset.done $0x0  }
0x3e: {  	[sflag:s3] =	ssyncadd.s32 $0xFFFFFF80  }
0x3f: {  	v1 =	vld [tilespmem:$0x30]  }
0x40: {  	v2 =	vld [tilespmem:$0xB0]  }
0x41: {  	v3 =	vld [tilespmem:$0x20]  }
0x42: {  	v5 =	vld [tilespmem:$0x40]  }
0x43: {  	v8 =	vld [tilespmem:$0x10]  }
0x44: {  	v47 =	vld [tilespmem:$0x0]  }
0x45: {  	v10 =	vld [tilespmem:$0x60]  }
0x46: {  	v4 =	vld [tilespmem:$0xA0];
	v9 =	vperm.xlane v3, v0  }
0x47: {  	v46 =	vld [tilespmem:$0x50];
	v48 =	vperm.xlane v5, v0  }
0x48: {  	v54 =	vld [tilespmem:$0x70];
	v12 =	vperm.xlane v8, v0;
	[tilespmem:$0x120] =	vst v9  }
0x49: {  	v53 =	vperm.xlane v47, v0;
	[tilespmem:$0x140] =	vst v48  }
0x4a: {  	v6 =	vld [tilespmem:$0x90];
	v55 =	vperm.xlane v10, v0;
	[tilespmem:$0x110] =	vst v12  }
0x4b: {  	v11 =	vld [tilespmem:$0xC0];
	v2 =	vadd.f32 v2, v1;
	v1 =	vperm.xlane v1, v0;
	[tilespmem:$0x100] =	vst v53  }
0x4c: {  	v51 =	vld [tilespmem:$0x80];
	v59 =	vperm.xlane v46, v0;
	[tilespmem:$0x160] =	vst v55  }
0x4d: {  	v52 =	vld [tilespmem:$0xF0];
	v3 =	vadd.f32 v4, v3;
	v62 =	vperm.xlane v54, v0;
	[tilespmem:$0x130] =	vst v1  }
0x4e: {  	v7 =	vld [tilespmem:$0xD0];
	[tilespmem:$0x150] =	vst v59  }
0x4f: {  	v49 =	vld [tilespmem:$0xE0];
	v6 =	vadd.f32 v6, v8;
	v3 =	vmin.f32 v3, $1.000000000e+00;
	[tilespmem:$0x170] =	vst v62  }
0x50: {  	v5 =	vadd.f32 v11, v5;
	v2 =	vmin.f32 v2, $1.000000000e+00;
	[tilespmem:$0x1A0] =	vst v3  }
0x51: {  	v57 =	vadd.f32 v51, v47;
	v6 =	vmin.f32 v6, $1.000000000e+00;
	[tilespmem:$0x1B0] =	vst v2  }
0x52: {  	v61 =	vadd.f32 v52, v54;
	v56 =	vmin.f32 v5, $1.000000000e+00;
	[tilespmem:$0x190] =	vst v6  }
0x53: {  	v50 =	vadd.f32 v7, v46;
	v60 =	vmin.f32 v57, $1.000000000e+00;
	[tilespmem:$0x1C0] =	vst v56  }
0x54: {  	v63 =	vmin.f32 v61, $1.000000000e+00;
	v2 =	vadd.f32 v49, v10;
	[tilespmem:$0x180] =	vst v60  }
0x55: {  	v3 =	vmin.f32 v50, $1.000000000e+00;
	[tilespmem:$0x1F0] =	vst v63  }
0x56: {  	[tilespmem:$0x1D0] =	vst v3;
	v58 =	vmin.f32 v2, $1.000000000e+00  }
0x57: {  	[tilespmem:$0x1E0] =	vst v58  }
0x58: {  	[hbm4b:s4+s2] =	stream.linear.scatter [tilespmem:s7], [sflag:$0x1], $0x80, $0x38;
	[tilespmem:$0x200] =	vst v63  }
0x59: {  	_ =	swait.ge [sflag:s3], $0x80  }
0x5a: {  	[sflag:s3] =	ssyncset.done $0x0  }
0x5b: {  	[sflag:s3] =	ssyncadd.s32 $0xFFFFFF80  }
0x5c: {  	[hbm4b:s5+s2] =	stream.linear.scatter [tilespmem:s6], [sflag:$0x1], $0x80, $0x38;
	[tilespmem:$0x200] =	vst v63  }
0x5d: {  	_ =	swait.ge [sflag:s3], $0x80  }
0x5e: {  	[sflag:s3] =	ssyncset.done $0x0  }
0x5f: {  	[sflag:s3] =	ssyncadd.s32 $0xFFFFFF80  }
0x60: {  	_ =	sfence.sel $0x180000  }
0x61: {  	[bflag:$0x0] =	sbarrier.arrive $0xFFFF  }
0x62: {  	p0 =	sne.s32 s1, $0x0;
	_ =	strace $0x90000047  }
0x63: {  	s0 =	sadd.s32 @!p0 $0x100000, s0;
	[bflag:$0x2] =	sbarrier.arrive $0xFFFF  }
0x64: {  	[sflag:s0] =	ssyncadd.tile.s32 @!p0 $0x1;
	_ =	shalt  }
.Lfunc_end2:
_tile_overlayer_lowered:
.L_overlay_start_2:
0x65: {  	(tag) =	ssettag $0x2  }
0x66: {  	s0 =	rddreg [dreg:$0x0];
	s2 =	stileid.u32  }
0x67: {  	s1 =	rddreg [dreg:$0x1];
	p0 =	sne.s32 s2, $0x0  }
0x68: {  	s3 =	rddreg [dreg:$0x2];
	[bflag:$0x3] =	sbarrier.arrive $0xFFFF;
	s2 =	simm.s32 @!p0 $0x1C01  }
0x69: {  	[timem:s3], [sflag:s2] =	dma.local @!p0 [hbm:s0], s1  }
0x6a: {  	s0 =	simm.s32 @!p0 $0x1  }
0x6b: {  	_ =	swait.ge @!p0 [sflag:s0], s1  }
0x6c: {  	s1 =	ssub.s32 @!p0 $0x0, s1;
	[sflag:s0] =	ssyncset.done @!p0 $0x0  }
0x6d: {  	[sflag:s0] =	ssyncadd.s32 @!p0 s1  }
0x6e: {  	[bflag:$0x3] =	sbarrier.arrive $0xFFFF  }
0x6f: {  	_ =	shalt  }

</sc_bundles>
